<compile_context>
chip_gen: v7x
topology: tpu7x:2x2x1
jax: 0.10.2.dev20260603
libtpu: 0.0.44.dev20260713+nightly
codegen_flags: <defaults>
</compile_context>

<pallas_src>
import functools

import jax
import jax.numpy as jnp
from jax import lax
from jax.experimental import pallas as pl
from jax.experimental.pallas import tpu as pltpu
from jax.experimental.pallas import tpu_sc as plsc

_VOCAB = 100000
_D = 64
_BATCH = 4096
_SEQ = 200

_NW = 32
_SPW = _BATCH // _NW
_IPW = _SPW * _SEQ
_G0 = 128
_G1 = _SEQ - _G0
_NBUF = 4


def _build(interpret=False):
  mesh = plsc.VectorSubcoreMesh(core_axis_name="c", subcore_axis_name="s")
  nc = 2

  @functools.partial(
      pl.kernel,
      out_type=jax.ShapeDtypeStruct((_BATCH, _SEQ, _D), jnp.float32),
      mesh=mesh,
      scratch_types=[
          pltpu.VMEM((_IPW,), jnp.int32),
          pltpu.VMEM_SHARED((_SEQ, _D), jnp.float32),
          pltpu.VMEM((_NBUF, _SEQ, _D), jnp.float32),
      ] + [pltpu.SemaphoreType.DMA] * (2 * _NBUF),
      compiler_params=pltpu.CompilerParams(use_tc_tiling_on_sc=False),
      interpret=interpret,
  )
  def k(table_hbm, idx_hbm, pos_hbm, out_hbm, idx_v, pos_v, bufs, *sems):
    gsems = sems[:_NBUF]
    wsems = sems[_NBUF:]
    sid = lax.axis_index("s")
    wid = sid * nc + lax.axis_index("c")
    base = wid * _SPW

    pltpu.sync_copy(idx_hbm.at[pl.ds(wid * _IPW, _IPW)], idx_v)
    @pl.when(sid == 0)
    def _():
      pltpu.sync_copy(pos_hbm, pos_v)
    plsc.subcore_barrier()

    def stage(s, b):
      pltpu.sync_copy(pos_v, bufs.at[b])
      pltpu.async_copy(
          table_hbm.at[idx_v.at[pl.ds(s * _SEQ, _G0)]],
          bufs.at[b, pl.ds(0, _G0)], gsems[b], add=True)
      pltpu.async_copy(
          table_hbm.at[idx_v.at[pl.ds(s * _SEQ + _G0, _G1)]],
          bufs.at[b, pl.ds(_G0, _G1)], gsems[b], add=True)

    for b in range(_NBUF):
      stage(b, b)

    def body(i, carry):
      s0 = i * _NBUF
      for b in range(_NBUF):
        s = s0 + b
        pltpu.make_async_copy(
            out_hbm.at[0], bufs.at[b], gsems[b]).wait()
        pltpu.async_copy(bufs.at[b], out_hbm.at[base + s], wsems[b])

        @pl.when(s + _NBUF < _SPW)
        def _():
          pltpu.make_async_copy(
              bufs.at[b], out_hbm.at[0], wsems[b]).wait()
          stage(s + _NBUF, b)

      return carry

    lax.fori_loop(0, _SPW // _NBUF, body, 0)

    for b in range(_NBUF):
      pltpu.make_async_copy(
          bufs.at[b], out_hbm.at[0], wsems[b]).wait()

  return k


_kernel_call = _build()


def kernel(x, word_emb, pos_emb):
  xf = x.astype(jnp.int32).reshape(_BATCH * _SEQ)
  return _kernel_call(word_emb, xf, pos_emb[:_SEQ])

# --- scband reference (transcript-rebuilt; emitter-appended) ---
"""Pipeline reference for scband-transformer-embedding-87943750353016 (READ-ONLY COPY).

The authoritative reference and input builder live on the scoring server;
editing this copy changes nothing except your own understanding.
"""

import jax, jax.numpy as jnp
import numpy as np

VOCAB = 100000
PAD = 1
MAX_SEQ = 256
D_MODEL = 64
BATCH = 4096
SEQ = 200


def make_pos_emb(max_seq_len, d_model):
    pos = np.arange(max_seq_len, dtype=np.float64)[:, None]
    j = np.arange(d_model, dtype=np.float64)[None, :]
    # even j -> sin(pos / 10000**(j/d)), odd j -> cos(pos / 10000**((j-1)/d))
    exponent = (j - np.mod(j, 2)) / d_model
    angle = pos / np.power(10000.0, exponent)
    emb = np.where(np.mod(j, 2) == 0, np.sin(angle), np.cos(angle))
    return jnp.asarray(emb, dtype=jnp.float32)


def setup_inputs(seed: int = 0) -> dict:
    key = jax.random.key(seed)
    k1, k2 = jax.random.split(key)
    x = jax.random.randint(k1, (BATCH, SEQ), 0, VOCAB, dtype=jnp.int64 if jax.config.jax_enable_x64 else jnp.int32)
    word_emb = jax.random.normal(k2, (VOCAB, D_MODEL), dtype=jnp.float32) * 0.02
    # nn.Embedding zero-initializes the padding_idx row
    word_emb = word_emb.at[PAD].set(0.0)
    pos_emb = make_pos_emb(MAX_SEQ, D_MODEL)
    return {"x": x, "word_emb": word_emb, "pos_emb": pos_emb}


def reference(x, word_emb, pos_emb):
    # word embedding lookup: (B, S, D)
    word_embed = jnp.take(word_emb, x, axis=0)
    seq_len = x.shape[1]
    pos_embed = pos_emb[:seq_len, :]
    return word_embed + pos_embed[None, :, :]

if __name__ == "__main__":
    import jax
    _d = setup_inputs()
    print(jax.jit(kernel)(*tuple(_d.values())))

</pallas_src>

<mosaic_0001>
#map = affine_map<(d0, d1) -> (0, 0)>
#map1 = affine_map<(d0, d1) -> (0)>
#map2 = affine_map<(d0, d1) -> (0, 0, 0)>
module attributes {stable_mosaic.version = 14 : i64} {
  func.func @k(%arg0: i32, %arg1: i32, %arg2: memref<100000x64xf32, #tpu.memory_space<hbm>>, %arg3: memref<819200xi32, #tpu.memory_space<hbm>>, %arg4: memref<200x64xf32, #tpu.memory_space<hbm>>, %arg5: memref<4096x200x64xf32, #tpu.memory_space<hbm>>, %arg6: memref<25600xi32, #tpu.memory_space<vmem>>, %arg7: memref<200x64xf32, #tpu.memory_space<vmem_shared>>, %arg8: memref<4x200x64xf32, #tpu.memory_space<vmem>>, %arg9: memref<!tpu.dma_semaphore, #tpu.memory_space<semaphore_mem>>, %arg10: memref<!tpu.dma_semaphore, #tpu.memory_space<semaphore_mem>>, %arg11: memref<!tpu.dma_semaphore, #tpu.memory_space<semaphore_mem>>, %arg12: memref<!tpu.dma_semaphore, #tpu.memory_space<semaphore_mem>>, %arg13: memref<!tpu.dma_semaphore, #tpu.memory_space<semaphore_mem>>, %arg14: memref<!tpu.dma_semaphore, #tpu.memory_space<semaphore_mem>>, %arg15: memref<!tpu.dma_semaphore, #tpu.memory_space<semaphore_mem>>, %arg16: memref<!tpu.dma_semaphore, #tpu.memory_space<semaphore_mem>>) attributes {dimension_semantics = [#tpu.dimension_semantics<core_parallel>, #tpu.dimension_semantics<subcore_parallel>], iteration_bounds = array<i64: 2, 16>, scalar_prefetch = 0 : i64, scratch_operands = 11 : i64, tpu.core_type = #tpu.core_type<sc_vector_subcore>, window_params = [{transform_indices = #map}, {transform_indices = #map1}, {transform_indices = #map}, {transform_indices = #map2}]} {
    %mul3A = arith.constant 2 : i32
    %mul3A_0 = arith.muli %arg1, %mul3A : i32
    %add3A = arith.addi %mul3A_0, %arg0 : i32
    %mul3A_1 = arith.constant 128 : i32
    %mul3A_2 = arith.muli %add3A, %mul3A_1 : i32
    %mul3A_3 = arith.constant 25600 : i32
    %mul3A_4 = arith.muli %add3A, %mul3A_3 : i32
    "tpu.region"() ({
      %run_scoped3A_165 = tpu.sem_alloc : memref<!tpu.dma_semaphore, #tpu.memory_space<semaphore_mem>>
      %dma_start3A_166 = tpu.memref_slice %arg3[%mul3A_4] : memref<819200xi32, #tpu.memory_space<hbm>> -> memref<25600xi32, #tpu.memory_space<hbm>>
      %dma_start3A_167 = tpu.memref_slice %arg3[%mul3A_4] : memref<819200xi32, #tpu.memory_space<hbm>> -> memref<25600xi32, #tpu.memory_space<hbm>>
      tpu.enqueue_dma source(%dma_start3A_167 : memref<25600xi32, #tpu.memory_space<hbm>>) target(%arg6 : memref<25600xi32, #tpu.memory_space<vmem>>) target_semaphore(%run_scoped3A_165 : memref<!tpu.dma_semaphore, #tpu.memory_space<semaphore_mem>>)
      %dma_wait3A_168 = tpu.memref_slice %arg3[%mul3A_4] : memref<819200xi32, #tpu.memory_space<hbm>> -> memref<25600xi32, #tpu.memory_space<hbm>>
      %dma_wait3A_169 = tpu.memref_slice %arg3[%mul3A_4] : memref<819200xi32, #tpu.memory_space<hbm>> -> memref<25600xi32, #tpu.memory_space<hbm>>
      tpu.wait_dma2 semaphore(%run_scoped3A_165 : memref<!tpu.dma_semaphore, #tpu.memory_space<semaphore_mem>>) src(%dma_wait3A_169 : memref<25600xi32, #tpu.memory_space<hbm>>) dst(%arg6 : memref<25600xi32, #tpu.memory_space<vmem>>)
      tpu.yield
    }) : () -> ()
    %eq3A = arith.constant 0 : i32
    %eq3A_5 = arith.cmpi eq, %arg1, %eq3A : i32
    %convert_element_type3A = arith.extui %eq3A_5 : i1 to i32
    %cond3A = arith.constant 0 : i32
    %cond3A_6 = arith.cmpi ne, %convert_element_type3A, %cond3A : i32
    scf.if %cond3A_6 {
      "tpu.region"() ({
        %run_scoped3A_165 = tpu.sem_alloc : memref<!tpu.dma_semaphore, #tpu.memory_space<semaphore_mem>>
        tpu.enqueue_dma source(%arg4 : memref<200x64xf32, #tpu.memory_space<hbm>>) target(%arg7 : memref<200x64xf32, #tpu.memory_space<vmem_shared>>) target_semaphore(%run_scoped3A_165 : memref<!tpu.dma_semaphore, #tpu.memory_space<semaphore_mem>>)
        tpu.wait_dma2 semaphore(%run_scoped3A_165 : memref<!tpu.dma_semaphore, #tpu.memory_space<semaphore_mem>>) src(%arg4 : memref<200x64xf32, #tpu.memory_space<hbm>>) dst(%arg7 : memref<200x64xf32, #tpu.memory_space<vmem_shared>>)
        tpu.yield
      }) : () -> ()
    } else {
    }
    %barrier3A = arith.constant 0 : index
    tpu.barrier barrier_id(%barrier3A)
    %run_scoped3A = arith.constant 0 : i32
    "tpu.region"() ({
      %run_scoped3A_165 = tpu.sem_alloc : memref<!tpu.dma_semaphore, #tpu.memory_space<semaphore_mem>>
      %dma_start3A_166 = arith.constant 0 : i32
      %dma_start3A_167 = arith.constant 0 : i32
      %dma_start3A_168 = tpu.memref_slice %arg8[%run_scoped3A, %dma_start3A_166, %dma_start3A_167] : memref<4x200x64xf32, #tpu.memory_space<vmem>> -> memref<1x200x64xf32, #tpu.memory_space<vmem>>
      %dma_start3A_169 = tpu.memref_squeeze %dma_start3A_168 : memref<1x200x64xf32, #tpu.memory_space<vmem>> -> memref<200x64xf32, #tpu.memory_space<vmem>>
      %dma_start3A_170 = arith.constant 0 : i32
      %dma_start3A_171 = arith.constant 0 : i32
      %dma_start3A_172 = tpu.memref_slice %arg8[%run_scoped3A, %dma_start3A_170, %dma_start3A_171] : memref<4x200x64xf32, #tpu.memory_space<vmem>> -> memref<1x200x64xf32, #tpu.memory_space<vmem>>
      %dma_start3A_173 = tpu.memref_squeeze %dma_start3A_172 : memref<1x200x64xf32, #tpu.memory_space<vmem>> -> memref<200x64xf32, #tpu.memory_space<vmem>>
      tpu.enqueue_dma source(%arg7 : memref<200x64xf32, #tpu.memory_space<vmem_shared>>) target(%dma_start3A_173 : memref<200x64xf32, #tpu.memory_space<vmem>>) target_semaphore(%run_scoped3A_165 : memref<!tpu.dma_semaphore, #tpu.memory_space<semaphore_mem>>)
      %dma_wait3A_174 = arith.constant 0 : i32
      %dma_wait3A_175 = arith.constant 0 : i32
      %dma_wait3A_176 = tpu.memref_slice %arg8[%run_scoped3A, %dma_wait3A_174, %dma_wait3A_175] : memref<4x200x64xf32, #tpu.memory_space<vmem>> -> memref<1x200x64xf32, #tpu.memory_space<vmem>>
      %dma_wait3A_177 = tpu.memref_squeeze %dma_wait3A_176 : memref<1x200x64xf32, #tpu.memory_space<vmem>> -> memref<200x64xf32, #tpu.memory_space<vmem>>
      %dma_wait3A_178 = arith.constant 0 : i32
      %dma_wait3A_179 = arith.constant 0 : i32
      %dma_wait3A_180 = tpu.memref_slice %arg8[%run_scoped3A, %dma_wait3A_178, %dma_wait3A_179] : memref<4x200x64xf32, #tpu.memory_space<vmem>> -> memref<1x200x64xf32, #tpu.memory_space<vmem>>
      %dma_wait3A_181 = tpu.memref_squeeze %dma_wait3A_180 : memref<1x200x64xf32, #tpu.memory_space<vmem>> -> memref<200x64xf32, #tpu.memory_space<vmem>>
      tpu.wait_dma2 semaphore(%run_scoped3A_165 : memref<!tpu.dma_semaphore, #tpu.memory_space<semaphore_mem>>) src(%arg7 : memref<200x64xf32, #tpu.memory_space<vmem_shared>>) dst(%dma_wait3A_181 : memref<200x64xf32, #tpu.memory_space<vmem>>)
      tpu.yield
    }) : () -> ()
    %dma_start3A = arith.constant 0 : i32
    %dma_start3A_7 = arith.constant 0 : i32
    %dma_start3A_8 = arith.constant 0 : i32
    %dma_start3A_9 = tpu.memref_slice %arg8[%dma_start3A, %dma_start3A_7, %dma_start3A_8] : memref<4x200x64xf32, #tpu.memory_space<vmem>> -> memref<1x128x64xf32, #tpu.memory_space<vmem>>
    %dma_start3A_10 = tpu.memref_squeeze %dma_start3A_9 : memref<1x128x64xf32, #tpu.memory_space<vmem>> -> memref<128x64xf32, #tpu.memory_space<vmem>>
    %dma_start3A_11 = arith.constant 0 : i32
    %dma_start3A_12 = tpu.memref_slice %arg6[%dma_start3A_11] : memref<25600xi32, #tpu.memory_space<vmem>> -> memref<128xi32, #tpu.memory_space<vmem>>
    %dma_start3A_13 = arith.constant 0 : i32
    %dma_start3A_14 = arith.constant 0 : i32
    %dma_start3A_15 = tpu.memref_slice %arg2[%dma_start3A_13, %dma_start3A_14] : memref<100000x64xf32, #tpu.memory_space<hbm>> -> memref<100000x64xf32, #tpu.memory_space<hbm>>
    tpu.enqueue_indirect_dma source(%dma_start3A_15 : memref<100000x64xf32, #tpu.memory_space<hbm>>) target(%dma_start3A_10 : memref<128x64xf32, #tpu.memory_space<vmem>>) offsets(%dma_start3A_12 : memref<128xi32, #tpu.memory_space<vmem>>) semaphore(%arg9 : memref<!tpu.dma_semaphore, #tpu.memory_space<semaphore_mem>>) {add = true}
    %dma_start3A_16 = arith.constant 0 : i32
    %dma_start3A_17 = arith.constant 128 : i32
    %dma_start3A_18 = arith.constant 0 : i32
    %dma_start3A_19 = tpu.memref_slice %arg8[%dma_start3A_16, %dma_start3A_17, %dma_start3A_18] : memref<4x200x64xf32, #tpu.memory_space<vmem>> -> memref<1x72x64xf32, #tpu.memory_space<vmem>>
    %dma_start3A_20 = tpu.memref_squeeze %dma_start3A_19 : memref<1x72x64xf32, #tpu.memory_space<vmem>> -> memref<72x64xf32, #tpu.memory_space<vmem>>
    %dma_start3A_21 = arith.constant 128 : i32
    %dma_start3A_22 = tpu.memref_slice %arg6[%dma_start3A_21] : memref<25600xi32, #tpu.memory_space<vmem>> -> memref<72xi32, #tpu.memory_space<vmem>>
    %dma_start3A_23 = arith.constant 0 : i32
    %dma_start3A_24 = arith.constant 0 : i32
    %dma_start3A_25 = tpu.memref_slice %arg2[%dma_start3A_23, %dma_start3A_24] : memref<100000x64xf32, #tpu.memory_space<hbm>> -> memref<100000x64xf32, #tpu.memory_space<hbm>>
    tpu.enqueue_indirect_dma source(%dma_start3A_25 : memref<100000x64xf32, #tpu.memory_space<hbm>>) target(%dma_start3A_20 : memref<72x64xf32, #tpu.memory_space<vmem>>) offsets(%dma_start3A_22 : memref<72xi32, #tpu.memory_space<vmem>>) semaphore(%arg9 : memref<!tpu.dma_semaphore, #tpu.memory_space<semaphore_mem>>) {add = true}
    %run_scoped3A_26 = arith.constant 1 : i32
    "tpu.region"() ({
      %run_scoped3A_165 = tpu.sem_alloc : memref<!tpu.dma_semaphore, #tpu.memory_space<semaphore_mem>>
      %dma_start3A_166 = arith.constant 0 : i32
      %dma_start3A_167 = arith.constant 0 : i32
      %dma_start3A_168 = tpu.memref_slice %arg8[%run_scoped3A_26, %dma_start3A_166, %dma_start3A_167] : memref<4x200x64xf32, #tpu.memory_space<vmem>> -> memref<1x200x64xf32, #tpu.memory_space<vmem>>
      %dma_start3A_169 = tpu.memref_squeeze %dma_start3A_168 : memref<1x200x64xf32, #tpu.memory_space<vmem>> -> memref<200x64xf32, #tpu.memory_space<vmem>>
      %dma_start3A_170 = arith.constant 0 : i32
      %dma_start3A_171 = arith.constant 0 : i32
      %dma_start3A_172 = tpu.memref_slice %arg8[%run_scoped3A_26, %dma_start3A_170, %dma_start3A_171] : memref<4x200x64xf32, #tpu.memory_space<vmem>> -> memref<1x200x64xf32, #tpu.memory_space<vmem>>
      %dma_start3A_173 = tpu.memref_squeeze %dma_start3A_172 : memref<1x200x64xf32, #tpu.memory_space<vmem>> -> memref<200x64xf32, #tpu.memory_space<vmem>>
      tpu.enqueue_dma source(%arg7 : memref<200x64xf32, #tpu.memory_space<vmem_shared>>) target(%dma_start3A_173 : memref<200x64xf32, #tpu.memory_space<vmem>>) target_semaphore(%run_scoped3A_165 : memref<!tpu.dma_semaphore, #tpu.memory_space<semaphore_mem>>)
      %dma_wait3A_174 = arith.constant 0 : i32
      %dma_wait3A_175 = arith.constant 0 : i32
      %dma_wait3A_176 = tpu.memref_slice %arg8[%run_scoped3A_26, %dma_wait3A_174, %dma_wait3A_175] : memref<4x200x64xf32, #tpu.memory_space<vmem>> -> memref<1x200x64xf32, #tpu.memory_space<vmem>>
      %dma_wait3A_177 = tpu.memref_squeeze %dma_wait3A_176 : memref<1x200x64xf32, #tpu.memory_space<vmem>> -> memref<200x64xf32, #tpu.memory_space<vmem>>
      %dma_wait3A_178 = arith.constant 0 : i32
      %dma_wait3A_179 = arith.constant 0 : i32
      %dma_wait3A_180 = tpu.memref_slice %arg8[%run_scoped3A_26, %dma_wait3A_178, %dma_wait3A_179] : memref<4x200x64xf32, #tpu.memory_space<vmem>> -> memref<1x200x64xf32, #tpu.memory_space<vmem>>
      %dma_wait3A_181 = tpu.memref_squeeze %dma_wait3A_180 : memref<1x200x64xf32, #tpu.memory_space<vmem>> -> memref<200x64xf32, #tpu.memory_space<vmem>>
      tpu.wait_dma2 semaphore(%run_scoped3A_165 : memref<!tpu.dma_semaphore, #tpu.memory_space<semaphore_mem>>) src(%arg7 : memref<200x64xf32, #tpu.memory_space<vmem_shared>>) dst(%dma_wait3A_181 : memref<200x64xf32, #tpu.memory_space<vmem>>)
      tpu.yield
    }) : () -> ()
    %dma_start3A_27 = arith.constant 1 : i32
    %dma_start3A_28 = arith.constant 0 : i32
    %dma_start3A_29 = arith.constant 0 : i32
    %dma_start3A_30 = tpu.memref_slice %arg8[%dma_start3A_27, %dma_start3A_28, %dma_start3A_29] : memref<4x200x64xf32, #tpu.memory_space<vmem>> -> memref<1x128x64xf32, #tpu.memory_space<vmem>>
    %dma_start3A_31 = tpu.memref_squeeze %dma_start3A_30 : memref<1x128x64xf32, #tpu.memory_space<vmem>> -> memref<128x64xf32, #tpu.memory_space<vmem>>
    %dma_start3A_32 = arith.constant 200 : i32
    %dma_start3A_33 = tpu.memref_slice %arg6[%dma_start3A_32] : memref<25600xi32, #tpu.memory_space<vmem>> -> memref<128xi32, #tpu.memory_space<vmem>>
    %dma_start3A_34 = arith.constant 0 : i32
    %dma_start3A_35 = arith.constant 0 : i32
    %dma_start3A_36 = tpu.memref_slice %arg2[%dma_start3A_34, %dma_start3A_35] : memref<100000x64xf32, #tpu.memory_space<hbm>> -> memref<100000x64xf32, #tpu.memory_space<hbm>>
    tpu.enqueue_indirect_dma source(%dma_start3A_36 : memref<100000x64xf32, #tpu.memory_space<hbm>>) target(%dma_start3A_31 : memref<128x64xf32, #tpu.memory_space<vmem>>) offsets(%dma_start3A_33 : memref<128xi32, #tpu.memory_space<vmem>>) semaphore(%arg10 : memref<!tpu.dma_semaphore, #tpu.memory_space<semaphore_mem>>) {add = true}
    %dma_start3A_37 = arith.constant 1 : i32
    %dma_start3A_38 = arith.constant 128 : i32
    %dma_start3A_39 = arith.constant 0 : i32
    %dma_start3A_40 = tpu.memref_slice %arg8[%dma_start3A_37, %dma_start3A_38, %dma_start3A_39] : memref<4x200x64xf32, #tpu.memory_space<vmem>> -> memref<1x72x64xf32, #tpu.memory_space<vmem>>
    %dma_start3A_41 = tpu.memref_squeeze %dma_start3A_40 : memref<1x72x64xf32, #tpu.memory_space<vmem>> -> memref<72x64xf32, #tpu.memory_space<vmem>>
    %dma_start3A_42 = arith.constant 328 : i32
    %dma_start3A_43 = tpu.memref_slice %arg6[%dma_start3A_42] : memref<25600xi32, #tpu.memory_space<vmem>> -> memref<72xi32, #tpu.memory_space<vmem>>
    %dma_start3A_44 = arith.constant 0 : i32
    %dma_start3A_45 = arith.constant 0 : i32
    %dma_start3A_46 = tpu.memref_slice %arg2[%dma_start3A_44, %dma_start3A_45] : memref<100000x64xf32, #tpu.memory_space<hbm>> -> memref<100000x64xf32, #tpu.memory_space<hbm>>
    tpu.enqueue_indirect_dma source(%dma_start3A_46 : memref<100000x64xf32, #tpu.memory_space<hbm>>) target(%dma_start3A_41 : memref<72x64xf32, #tpu.memory_space<vmem>>) offsets(%dma_start3A_43 : memref<72xi32, #tpu.memory_space<vmem>>) semaphore(%arg10 : memref<!tpu.dma_semaphore, #tpu.memory_space<semaphore_mem>>) {add = true}
    %run_scoped3A_47 = arith.constant 2 : i32
    "tpu.region"() ({
      %run_scoped3A_165 = tpu.sem_alloc : memref<!tpu.dma_semaphore, #tpu.memory_space<semaphore_mem>>
      %dma_start3A_166 = arith.constant 0 : i32
      %dma_start3A_167 = arith.constant 0 : i32
      %dma_start3A_168 = tpu.memref_slice %arg8[%run_scoped3A_47, %dma_start3A_166, %dma_start3A_167] : memref<4x200x64xf32, #tpu.memory_space<vmem>> -> memref<1x200x64xf32, #tpu.memory_space<vmem>>
      %dma_start3A_169 = tpu.memref_squeeze %dma_start3A_168 : memref<1x200x64xf32, #tpu.memory_space<vmem>> -> memref<200x64xf32, #tpu.memory_space<vmem>>
      %dma_start3A_170 = arith.constant 0 : i32
      %dma_start3A_171 = arith.constant 0 : i32
      %dma_start3A_172 = tpu.memref_slice %arg8[%run_scoped3A_47, %dma_start3A_170, %dma_start3A_171] : memref<4x200x64xf32, #tpu.memory_space<vmem>> -> memref<1x200x64xf32, #tpu.memory_space<vmem>>
      %dma_start3A_173 = tpu.memref_squeeze %dma_start3A_172 : memref<1x200x64xf32, #tpu.memory_space<vmem>> -> memref<200x64xf32, #tpu.memory_space<vmem>>
      tpu.enqueue_dma source(%arg7 : memref<200x64xf32, #tpu.memory_space<vmem_shared>>) target(%dma_start3A_173 : memref<200x64xf32, #tpu.memory_space<vmem>>) target_semaphore(%run_scoped3A_165 : memref<!tpu.dma_semaphore, #tpu.memory_space<semaphore_mem>>)
      %dma_wait3A_174 = arith.constant 0 : i32
      %dma_wait3A_175 = arith.constant 0 : i32
      %dma_wait3A_176 = tpu.memref_slice %arg8[%run_scoped3A_47, %dma_wait3A_174, %dma_wait3A_175] : memref<4x200x64xf32, #tpu.memory_space<vmem>> -> memref<1x200x64xf32, #tpu.memory_space<vmem>>
      %dma_wait3A_177 = tpu.memref_squeeze %dma_wait3A_176 : memref<1x200x64xf32, #tpu.memory_space<vmem>> -> memref<200x64xf32, #tpu.memory_space<vmem>>
      %dma_wait3A_178 = arith.constant 0 : i32
      %dma_wait3A_179 = arith.constant 0 : i32
      %dma_wait3A_180 = tpu.memref_slice %arg8[%run_scoped3A_47, %dma_wait3A_178, %dma_wait3A_179] : memref<4x200x64xf32, #tpu.memory_space<vmem>> -> memref<1x200x64xf32, #tpu.memory_space<vmem>>
      %dma_wait3A_181 = tpu.memref_squeeze %dma_wait3A_180 : memref<1x200x64xf32, #tpu.memory_space<vmem>> -> memref<200x64xf32, #tpu.memory_space<vmem>>
      tpu.wait_dma2 semaphore(%run_scoped3A_165 : memref<!tpu.dma_semaphore, #tpu.memory_space<semaphore_mem>>) src(%arg7 : memref<200x64xf32, #tpu.memory_space<vmem_shared>>) dst(%dma_wait3A_181 : memref<200x64xf32, #tpu.memory_space<vmem>>)
      tpu.yield
    }) : () -> ()
    %dma_start3A_48 = arith.constant 2 : i32
    %dma_start3A_49 = arith.constant 0 : i32
    %dma_start3A_50 = arith.constant 0 : i32
    %dma_start3A_51 = tpu.memref_slice %arg8[%dma_start3A_48, %dma_start3A_49, %dma_start3A_50] : memref<4x200x64xf32, #tpu.memory_space<vmem>> -> memref<1x128x64xf32, #tpu.memory_space<vmem>>
    %dma_start3A_52 = tpu.memref_squeeze %dma_start3A_51 : memref<1x128x64xf32, #tpu.memory_space<vmem>> -> memref<128x64xf32, #tpu.memory_space<vmem>>
    %dma_start3A_53 = arith.constant 400 : i32
    %dma_start3A_54 = tpu.memref_slice %arg6[%dma_start3A_53] : memref<25600xi32, #tpu.memory_space<vmem>> -> memref<128xi32, #tpu.memory_space<vmem>>
    %dma_start3A_55 = arith.constant 0 : i32
    %dma_start3A_56 = arith.constant 0 : i32
    %dma_start3A_57 = tpu.memref_slice %arg2[%dma_start3A_55, %dma_start3A_56] : memref<100000x64xf32, #tpu.memory_space<hbm>> -> memref<100000x64xf32, #tpu.memory_space<hbm>>
    tpu.enqueue_indirect_dma source(%dma_start3A_57 : memref<100000x64xf32, #tpu.memory_space<hbm>>) target(%dma_start3A_52 : memref<128x64xf32, #tpu.memory_space<vmem>>) offsets(%dma_start3A_54 : memref<128xi32, #tpu.memory_space<vmem>>) semaphore(%arg11 : memref<!tpu.dma_semaphore, #tpu.memory_space<semaphore_mem>>) {add = true}
    %dma_start3A_58 = arith.constant 2 : i32
    %dma_start3A_59 = arith.constant 128 : i32
    %dma_start3A_60 = arith.constant 0 : i32
    %dma_start3A_61 = tpu.memref_slice %arg8[%dma_start3A_58, %dma_start3A_59, %dma_start3A_60] : memref<4x200x64xf32, #tpu.memory_space<vmem>> -> memref<1x72x64xf32, #tpu.memory_space<vmem>>
    %dma_start3A_62 = tpu.memref_squeeze %dma_start3A_61 : memref<1x72x64xf32, #tpu.memory_space<vmem>> -> memref<72x64xf32, #tpu.memory_space<vmem>>
    %dma_start3A_63 = arith.constant 528 : i32
    %dma_start3A_64 = tpu.memref_slice %arg6[%dma_start3A_63] : memref<25600xi32, #tpu.memory_space<vmem>> -> memref<72xi32, #tpu.memory_space<vmem>>
    %dma_start3A_65 = arith.constant 0 : i32
    %dma_start3A_66 = arith.constant 0 : i32
    %dma_start3A_67 = tpu.memref_slice %arg2[%dma_start3A_65, %dma_start3A_66] : memref<100000x64xf32, #tpu.memory_space<hbm>> -> memref<100000x64xf32, #tpu.memory_space<hbm>>
    tpu.enqueue_indirect_dma source(%dma_start3A_67 : memref<100000x64xf32, #tpu.memory_space<hbm>>) target(%dma_start3A_62 : memref<72x64xf32, #tpu.memory_space<vmem>>) offsets(%dma_start3A_64 : memref<72xi32, #tpu.memory_space<vmem>>) semaphore(%arg11 : memref<!tpu.dma_semaphore, #tpu.memory_space<semaphore_mem>>) {add = true}
    %run_scoped3A_68 = arith.constant 3 : i32
    "tpu.region"() ({
      %run_scoped3A_165 = tpu.sem_alloc : memref<!tpu.dma_semaphore, #tpu.memory_space<semaphore_mem>>
      %dma_start3A_166 = arith.constant 0 : i32
      %dma_start3A_167 = arith.constant 0 : i32
      %dma_start3A_168 = tpu.memref_slice %arg8[%run_scoped3A_68, %dma_start3A_166, %dma_start3A_167] : memref<4x200x64xf32, #tpu.memory_space<vmem>> -> memref<1x200x64xf32, #tpu.memory_space<vmem>>
      %dma_start3A_169 = tpu.memref_squeeze %dma_start3A_168 : memref<1x200x64xf32, #tpu.memory_space<vmem>> -> memref<200x64xf32, #tpu.memory_space<vmem>>
      %dma_start3A_170 = arith.constant 0 : i32
      %dma_start3A_171 = arith.constant 0 : i32
      %dma_start3A_172 = tpu.memref_slice %arg8[%run_scoped3A_68, %dma_start3A_170, %dma_start3A_171] : memref<4x200x64xf32, #tpu.memory_space<vmem>> -> memref<1x200x64xf32, #tpu.memory_space<vmem>>
      %dma_start3A_173 = tpu.memref_squeeze %dma_start3A_172 : memref<1x200x64xf32, #tpu.memory_space<vmem>> -> memref<200x64xf32, #tpu.memory_space<vmem>>
      tpu.enqueue_dma source(%arg7 : memref<200x64xf32, #tpu.memory_space<vmem_shared>>) target(%dma_start3A_173 : memref<200x64xf32, #tpu.memory_space<vmem>>) target_semaphore(%run_scoped3A_165 : memref<!tpu.dma_semaphore, #tpu.memory_space<semaphore_mem>>)
      %dma_wait3A_174 = arith.constant 0 : i32
      %dma_wait3A_175 = arith.constant 0 : i32
      %dma_wait3A_176 = tpu.memref_slice %arg8[%run_scoped3A_68, %dma_wait3A_174, %dma_wait3A_175] : memref<4x200x64xf32, #tpu.memory_space<vmem>> -> memref<1x200x64xf32, #tpu.memory_space<vmem>>
      %dma_wait3A_177 = tpu.memref_squeeze %dma_wait3A_176 : memref<1x200x64xf32, #tpu.memory_space<vmem>> -> memref<200x64xf32, #tpu.memory_space<vmem>>
      %dma_wait3A_178 = arith.constant 0 : i32
      %dma_wait3A_179 = arith.constant 0 : i32
      %dma_wait3A_180 = tpu.memref_slice %arg8[%run_scoped3A_68, %dma_wait3A_178, %dma_wait3A_179] : memref<4x200x64xf32, #tpu.memory_space<vmem>> -> memref<1x200x64xf32, #tpu.memory_space<vmem>>
      %dma_wait3A_181 = tpu.memref_squeeze %dma_wait3A_180 : memref<1x200x64xf32, #tpu.memory_space<vmem>> -> memref<200x64xf32, #tpu.memory_space<vmem>>
      tpu.wait_dma2 semaphore(%run_scoped3A_165 : memref<!tpu.dma_semaphore, #tpu.memory_space<semaphore_mem>>) src(%arg7 : memref<200x64xf32, #tpu.memory_space<vmem_shared>>) dst(%dma_wait3A_181 : memref<200x64xf32, #tpu.memory_space<vmem>>)
      tpu.yield
    }) : () -> ()
    %dma_start3A_69 = arith.constant 3 : i32
    %dma_start3A_70 = arith.constant 0 : i32
    %dma_start3A_71 = arith.constant 0 : i32
    %dma_start3A_72 = tpu.memref_slice %arg8[%dma_start3A_69, %dma_start3A_70, %dma_start3A_71] : memref<4x200x64xf32, #tpu.memory_space<vmem>> -> memref<1x128x64xf32, #tpu.memory_space<vmem>>
    %dma_start3A_73 = tpu.memref_squeeze %dma_start3A_72 : memref<1x128x64xf32, #tpu.memory_space<vmem>> -> memref<128x64xf32, #tpu.memory_space<vmem>>
    %dma_start3A_74 = arith.constant 600 : i32
    %dma_start3A_75 = tpu.memref_slice %arg6[%dma_start3A_74] : memref<25600xi32, #tpu.memory_space<vmem>> -> memref<128xi32, #tpu.memory_space<vmem>>
    %dma_start3A_76 = arith.constant 0 : i32
    %dma_start3A_77 = arith.constant 0 : i32
    %dma_start3A_78 = tpu.memref_slice %arg2[%dma_start3A_76, %dma_start3A_77] : memref<100000x64xf32, #tpu.memory_space<hbm>> -> memref<100000x64xf32, #tpu.memory_space<hbm>>
    tpu.enqueue_indirect_dma source(%dma_start3A_78 : memref<100000x64xf32, #tpu.memory_space<hbm>>) target(%dma_start3A_73 : memref<128x64xf32, #tpu.memory_space<vmem>>) offsets(%dma_start3A_75 : memref<128xi32, #tpu.memory_space<vmem>>) semaphore(%arg12 : memref<!tpu.dma_semaphore, #tpu.memory_space<semaphore_mem>>) {add = true}
    %dma_start3A_79 = arith.constant 3 : i32
    %dma_start3A_80 = arith.constant 128 : i32
    %dma_start3A_81 = arith.constant 0 : i32
    %dma_start3A_82 = tpu.memref_slice %arg8[%dma_start3A_79, %dma_start3A_80, %dma_start3A_81] : memref<4x200x64xf32, #tpu.memory_space<vmem>> -> memref<1x72x64xf32, #tpu.memory_space<vmem>>
    %dma_start3A_83 = tpu.memref_squeeze %dma_start3A_82 : memref<1x72x64xf32, #tpu.memory_space<vmem>> -> memref<72x64xf32, #tpu.memory_space<vmem>>
    %dma_start3A_84 = arith.constant 728 : i32
    %dma_start3A_85 = tpu.memref_slice %arg6[%dma_start3A_84] : memref<25600xi32, #tpu.memory_space<vmem>> -> memref<72xi32, #tpu.memory_space<vmem>>
    %dma_start3A_86 = arith.constant 0 : i32
    %dma_start3A_87 = arith.constant 0 : i32
    %dma_start3A_88 = tpu.memref_slice %arg2[%dma_start3A_86, %dma_start3A_87] : memref<100000x64xf32, #tpu.memory_space<hbm>> -> memref<100000x64xf32, #tpu.memory_space<hbm>>
    tpu.enqueue_indirect_dma source(%dma_start3A_88 : memref<100000x64xf32, #tpu.memory_space<hbm>>) target(%dma_start3A_83 : memref<72x64xf32, #tpu.memory_space<vmem>>) offsets(%dma_start3A_85 : memref<72xi32, #tpu.memory_space<vmem>>) semaphore(%arg12 : memref<!tpu.dma_semaphore, #tpu.memory_space<semaphore_mem>>) {add = true}
    %scan3A = arith.constant 0 : i32
    %scan3A_89 = arith.constant 0 : i32
    %scan3A_90 = arith.constant 32 : i32
    %scan3A_91 = arith.addi %scan3A_89, %scan3A_90 : i32
    %scan3A_92 = arith.constant 1 : i32
    scf.for %scan3A_165 = %scan3A_89 to %scan3A_91 step %scan3A_92  : i32 {
      %mul3A_166 = arith.constant 4 : i32
      %mul3A_167 = arith.muli %scan3A_165, %mul3A_166 : i32
      %add3A_168 = arith.constant 0 : i32
      %add3A_169 = arith.addi %mul3A_167, %add3A_168 : i32
      %dma_wait3A_170 = arith.constant 0 : i32
      %dma_wait3A_171 = arith.constant 0 : i32
      %dma_wait3A_172 = arith.constant 0 : i32
      %dma_wait3A_173 = arith.constant 0 : i32
      %dma_wait3A_174 = tpu.memref_slice %arg8[%dma_wait3A_171, %dma_wait3A_172, %dma_wait3A_173] : memref<4x200x64xf32, #tpu.memory_space<vmem>> -> memref<1x200x64xf32, #tpu.memory_space<vmem>>
      %dma_wait3A_175 = tpu.memref_squeeze %dma_wait3A_174 : memref<1x200x64xf32, #tpu.memory_space<vmem>> -> memref<200x64xf32, #tpu.memory_space<vmem>>
      %dma_wait3A_176 = arith.constant 0 : i32
      %dma_wait3A_177 = arith.constant 0 : i32
      %dma_wait3A_178 = tpu.memref_slice %arg5[%dma_wait3A_170, %dma_wait3A_176, %dma_wait3A_177] : memref<4096x200x64xf32, #tpu.memory_space<hbm>> -> memref<1x200x64xf32, #tpu.memory_space<hbm>>
      %dma_wait3A_179 = tpu.memref_squeeze %dma_wait3A_178 : memref<1x200x64xf32, #tpu.memory_space<hbm>> -> memref<200x64xf32, #tpu.memory_space<hbm>>
      %dma_wait3A_180 = arith.constant 0 : i32
      %dma_wait3A_181 = arith.constant 0 : i32
      %dma_wait3A_182 = tpu.memref_slice %arg8[%dma_wait3A_171, %dma_wait3A_180, %dma_wait3A_181] : memref<4x200x64xf32, #tpu.memory_space<vmem>> -> memref<1x200x64xf32, #tpu.memory_space<vmem>>
      %dma_wait3A_183 = tpu.memref_squeeze %dma_wait3A_182 : memref<1x200x64xf32, #tpu.memory_space<vmem>> -> memref<200x64xf32, #tpu.memory_space<vmem>>
      %dma_wait3A_184 = arith.constant 0 : i32
      %dma_wait3A_185 = arith.constant 0 : i32
      %dma_wait3A_186 = tpu.memref_slice %arg5[%dma_wait3A_170, %dma_wait3A_184, %dma_wait3A_185] : memref<4096x200x64xf32, #tpu.memory_space<hbm>> -> memref<1x200x64xf32, #tpu.memory_space<hbm>>
      %dma_wait3A_187 = tpu.memref_squeeze %dma_wait3A_186 : memref<1x200x64xf32, #tpu.memory_space<hbm>> -> memref<200x64xf32, #tpu.memory_space<hbm>>
      tpu.wait_dma2 semaphore(%arg9 : memref<!tpu.dma_semaphore, #tpu.memory_space<semaphore_mem>>) src(%dma_wait3A_187 : memref<200x64xf32, #tpu.memory_space<hbm>>) dst(%dma_wait3A_183 : memref<200x64xf32, #tpu.memory_space<vmem>>)
      %add3A_188 = arith.addi %mul3A_2, %add3A_169 : i32
      %dma_start3A_189 = arith.constant 0 : i32
      %dma_start3A_190 = arith.constant 0 : i32
      %dma_start3A_191 = arith.constant 0 : i32
      %dma_start3A_192 = tpu.memref_slice %arg8[%dma_start3A_189, %dma_start3A_190, %dma_start3A_191] : memref<4x200x64xf32, #tpu.memory_space<vmem>> -> memref<1x200x64xf32, #tpu.memory_space<vmem>>
      %dma_start3A_193 = tpu.memref_squeeze %dma_start3A_192 : memref<1x200x64xf32, #tpu.memory_space<vmem>> -> memref<200x64xf32, #tpu.memory_space<vmem>>
      %dma_start3A_194 = arith.constant 0 : i32
      %dma_start3A_195 = arith.constant 0 : i32
      %dma_start3A_196 = tpu.memref_slice %arg5[%add3A_188, %dma_start3A_194, %dma_start3A_195] : memref<4096x200x64xf32, #tpu.memory_space<hbm>> -> memref<1x200x64xf32, #tpu.memory_space<hbm>>
      %dma_start3A_197 = tpu.memref_squeeze %dma_start3A_196 : memref<1x200x64xf32, #tpu.memory_space<hbm>> -> memref<200x64xf32, #tpu.memory_space<hbm>>
      %dma_start3A_198 = arith.constant 0 : i32
      %dma_start3A_199 = arith.constant 0 : i32
      %dma_start3A_200 = tpu.memref_slice %arg5[%add3A_188, %dma_start3A_198, %dma_start3A_199] : memref<4096x200x64xf32, #tpu.memory_space<hbm>> -> memref<1x200x64xf32, #tpu.memory_space<hbm>>
      %dma_start3A_201 = tpu.memref_squeeze %dma_start3A_200 : memref<1x200x64xf32, #tpu.memory_space<hbm>> -> memref<200x64xf32, #tpu.memory_space<hbm>>
      %dma_start3A_202 = arith.constant 0 : i32
      %dma_start3A_203 = arith.constant 0 : i32
      %dma_start3A_204 = tpu.memref_slice %arg8[%dma_start3A_189, %dma_start3A_202, %dma_start3A_203] : memref<4x200x64xf32, #tpu.memory_space<vmem>> -> memref<1x200x64xf32, #tpu.memory_space<vmem>>
      %dma_start3A_205 = tpu.memref_squeeze %dma_start3A_204 : memref<1x200x64xf32, #tpu.memory_space<vmem>> -> memref<200x64xf32, #tpu.memory_space<vmem>>
      tpu.enqueue_dma source(%dma_start3A_205 : memref<200x64xf32, #tpu.memory_space<vmem>>) target(%dma_start3A_201 : memref<200x64xf32, #tpu.memory_space<hbm>>) target_semaphore(%arg13 : memref<!tpu.dma_semaphore, #tpu.memory_space<semaphore_mem>>)
      %add3A_206 = arith.constant 4 : i32
      %add3A_207 = arith.addi %add3A_169, %add3A_206 : i32
      %lt3A = arith.constant 128 : i32
      %lt3A_208 = arith.cmpi slt, %add3A_207, %lt3A : i32
      %convert_element_type3A_209 = arith.extui %lt3A_208 : i1 to i32
      %cond3A_210 = arith.constant 0 : i32
      %cond3A_211 = arith.cmpi ne, %convert_element_type3A_209, %cond3A_210 : i32
      scf.if %cond3A_211 {
        %dma_wait3A_347 = arith.constant 0 : i32
        %dma_wait3A_348 = arith.constant 0 : i32
        %dma_wait3A_349 = arith.constant 0 : i32
        %dma_wait3A_350 = arith.constant 0 : i32
        %dma_wait3A_351 = tpu.memref_slice %arg8[%dma_wait3A_347, %dma_wait3A_349, %dma_wait3A_350] : memref<4x200x64xf32, #tpu.memory_space<vmem>> -> memref<1x200x64xf32, #tpu.memory_space<vmem>>
        %dma_wait3A_352 = tpu.memref_squeeze %dma_wait3A_351 : memref<1x200x64xf32, #tpu.memory_space<vmem>> -> memref<200x64xf32, #tpu.memory_space<vmem>>
        %dma_wait3A_353 = arith.constant 0 : i32
        %dma_wait3A_354 = arith.constant 0 : i32
        %dma_wait3A_355 = tpu.memref_slice %arg5[%dma_wait3A_348, %dma_wait3A_353, %dma_wait3A_354] : memref<4096x200x64xf32, #tpu.memory_space<hbm>> -> memref<1x200x64xf32, #tpu.memory_space<hbm>>
        %dma_wait3A_356 = tpu.memref_squeeze %dma_wait3A_355 : memref<1x200x64xf32, #tpu.memory_space<hbm>> -> memref<200x64xf32, #tpu.memory_space<hbm>>
        %dma_wait3A_357 = arith.constant 0 : i32
        %dma_wait3A_358 = arith.constant 0 : i32
        %dma_wait3A_359 = tpu.memref_slice %arg5[%dma_wait3A_348, %dma_wait3A_357, %dma_wait3A_358] : memref<4096x200x64xf32, #tpu.memory_space<hbm>> -> memref<1x200x64xf32, #tpu.memory_space<hbm>>
        %dma_wait3A_360 = tpu.memref_squeeze %dma_wait3A_359 : memref<1x200x64xf32, #tpu.memory_space<hbm>> -> memref<200x64xf32, #tpu.memory_space<hbm>>
        %dma_wait3A_361 = arith.constant 0 : i32
        %dma_wait3A_362 = arith.constant 0 : i32
        %dma_wait3A_363 = tpu.memref_slice %arg8[%dma_wait3A_347, %dma_wait3A_361, %dma_wait3A_362] : memref<4x200x64xf32, #tpu.memory_space<vmem>> -> memref<1x200x64xf32, #tpu.memory_space<vmem>>
        %dma_wait3A_364 = tpu.memref_squeeze %dma_wait3A_363 : memref<1x200x64xf32, #tpu.memory_space<vmem>> -> memref<200x64xf32, #tpu.memory_space<vmem>>
        tpu.wait_dma2 semaphore(%arg13 : memref<!tpu.dma_semaphore, #tpu.memory_space<semaphore_mem>>) src(%dma_wait3A_364 : memref<200x64xf32, #tpu.memory_space<vmem>>) dst(%dma_wait3A_360 : memref<200x64xf32, #tpu.memory_space<hbm>>)
        %add3A_365 = arith.constant 4 : i32
        %add3A_366 = arith.addi %add3A_169, %add3A_365 : i32
        %run_scoped3A_367 = arith.constant 0 : i32
        "tpu.region"() ({
          %run_scoped3A_392 = tpu.sem_alloc : memref<!tpu.dma_semaphore, #tpu.memory_space<semaphore_mem>>
          %dma_start3A_393 = arith.constant 0 : i32
          %dma_start3A_394 = arith.constant 0 : i32
          %dma_start3A_395 = tpu.memref_slice %arg8[%run_scoped3A_367, %dma_start3A_393, %dma_start3A_394] : memref<4x200x64xf32, #tpu.memory_space<vmem>> -> memref<1x200x64xf32, #tpu.memory_space<vmem>>
          %dma_start3A_396 = tpu.memref_squeeze %dma_start3A_395 : memref<1x200x64xf32, #tpu.memory_space<vmem>> -> memref<200x64xf32, #tpu.memory_space<vmem>>
          %dma_start3A_397 = arith.constant 0 : i32
          %dma_start3A_398 = arith.constant 0 : i32
          %dma_start3A_399 = tpu.memref_slice %arg8[%run_scoped3A_367, %dma_start3A_397, %dma_start3A_398] : memref<4x200x64xf32, #tpu.memory_space<vmem>> -> memref<1x200x64xf32, #tpu.memory_space<vmem>>
          %dma_start3A_400 = tpu.memref_squeeze %dma_start3A_399 : memref<1x200x64xf32, #tpu.memory_space<vmem>> -> memref<200x64xf32, #tpu.memory_space<vmem>>
          tpu.enqueue_dma source(%arg7 : memref<200x64xf32, #tpu.memory_space<vmem_shared>>) target(%dma_start3A_400 : memref<200x64xf32, #tpu.memory_space<vmem>>) target_semaphore(%run_scoped3A_392 : memref<!tpu.dma_semaphore, #tpu.memory_space<semaphore_mem>>)
          %dma_wait3A_401 = arith.constant 0 : i32
          %dma_wait3A_402 = arith.constant 0 : i32
          %dma_wait3A_403 = tpu.memref_slice %arg8[%run_scoped3A_367, %dma_wait3A_401, %dma_wait3A_402] : memref<4x200x64xf32, #tpu.memory_space<vmem>> -> memref<1x200x64xf32, #tpu.memory_space<vmem>>
          %dma_wait3A_404 = tpu.memref_squeeze %dma_wait3A_403 : memref<1x200x64xf32, #tpu.memory_space<vmem>> -> memref<200x64xf32, #tpu.memory_space<vmem>>
          %dma_wait3A_405 = arith.constant 0 : i32
          %dma_wait3A_406 = arith.constant 0 : i32
          %dma_wait3A_407 = tpu.memref_slice %arg8[%run_scoped3A_367, %dma_wait3A_405, %dma_wait3A_406] : memref<4x200x64xf32, #tpu.memory_space<vmem>> -> memref<1x200x64xf32, #tpu.memory_space<vmem>>
          %dma_wait3A_408 = tpu.memref_squeeze %dma_wait3A_407 : memref<1x200x64xf32, #tpu.memory_space<vmem>> -> memref<200x64xf32, #tpu.memory_space<vmem>>
          tpu.wait_dma2 semaphore(%run_scoped3A_392 : memref<!tpu.dma_semaphore, #tpu.memory_space<semaphore_mem>>) src(%arg7 : memref<200x64xf32, #tpu.memory_space<vmem_shared>>) dst(%dma_wait3A_408 : memref<200x64xf32, #tpu.memory_space<vmem>>)
          tpu.yield
        }) : () -> ()
        %mul3A_368 = arith.constant 200 : i32
        %mul3A_369 = arith.muli %add3A_366, %mul3A_368 : i32
        %dma_start3A_370 = arith.constant 0 : i32
        %dma_start3A_371 = arith.constant 0 : i32
        %dma_start3A_372 = arith.constant 0 : i32
        %dma_start3A_373 = tpu.memref_slice %arg8[%dma_start3A_370, %dma_start3A_371, %dma_start3A_372] : memref<4x200x64xf32, #tpu.memory_space<vmem>> -> memref<1x128x64xf32, #tpu.memory_space<vmem>>
        %dma_start3A_374 = tpu.memref_squeeze %dma_start3A_373 : memref<1x128x64xf32, #tpu.memory_space<vmem>> -> memref<128x64xf32, #tpu.memory_space<vmem>>
        %dma_start3A_375 = tpu.memref_slice %arg6[%mul3A_369] : memref<25600xi32, #tpu.memory_space<vmem>> -> memref<128xi32, #tpu.memory_space<vmem>>
        %dma_start3A_376 = arith.constant 0 : i32
        %dma_start3A_377 = arith.constant 0 : i32
        %dma_start3A_378 = tpu.memref_slice %arg2[%dma_start3A_376, %dma_start3A_377] : memref<100000x64xf32, #tpu.memory_space<hbm>> -> memref<100000x64xf32, #tpu.memory_space<hbm>>
        tpu.enqueue_indirect_dma source(%dma_start3A_378 : memref<100000x64xf32, #tpu.memory_space<hbm>>) target(%dma_start3A_374 : memref<128x64xf32, #tpu.memory_space<vmem>>) offsets(%dma_start3A_375 : memref<128xi32, #tpu.memory_space<vmem>>) semaphore(%arg9 : memref<!tpu.dma_semaphore, #tpu.memory_space<semaphore_mem>>) {add = true}
        %mul3A_379 = arith.constant 200 : i32
        %mul3A_380 = arith.muli %add3A_366, %mul3A_379 : i32
        %add3A_381 = arith.constant 128 : i32
        %add3A_382 = arith.addi %mul3A_380, %add3A_381 : i32
        %dma_start3A_383 = arith.constant 0 : i32
        %dma_start3A_384 = arith.constant 128 : i32
        %dma_start3A_385 = arith.constant 0 : i32
        %dma_start3A_386 = tpu.memref_slice %arg8[%dma_start3A_383, %dma_start3A_384, %dma_start3A_385] : memref<4x200x64xf32, #tpu.memory_space<vmem>> -> memref<1x72x64xf32, #tpu.memory_space<vmem>>
        %dma_start3A_387 = tpu.memref_squeeze %dma_start3A_386 : memref<1x72x64xf32, #tpu.memory_space<vmem>> -> memref<72x64xf32, #tpu.memory_space<vmem>>
        %dma_start3A_388 = tpu.memref_slice %arg6[%add3A_382] : memref<25600xi32, #tpu.memory_space<vmem>> -> memref<72xi32, #tpu.memory_space<vmem>>
        %dma_start3A_389 = arith.constant 0 : i32
        %dma_start3A_390 = arith.constant 0 : i32
        %dma_start3A_391 = tpu.memref_slice %arg2[%dma_start3A_389, %dma_start3A_390] : memref<100000x64xf32, #tpu.memory_space<hbm>> -> memref<100000x64xf32, #tpu.memory_space<hbm>>
        tpu.enqueue_indirect_dma source(%dma_start3A_391 : memref<100000x64xf32, #tpu.memory_space<hbm>>) target(%dma_start3A_387 : memref<72x64xf32, #tpu.memory_space<vmem>>) offsets(%dma_start3A_388 : memref<72xi32, #tpu.memory_space<vmem>>) semaphore(%arg9 : memref<!tpu.dma_semaphore, #tpu.memory_space<semaphore_mem>>) {add = true}
      } else {
      }
      %add3A_212 = arith.constant 1 : i32
      %add3A_213 = arith.addi %mul3A_167, %add3A_212 : i32
      %dma_wait3A_214 = arith.constant 0 : i32
      %dma_wait3A_215 = arith.constant 1 : i32
      %dma_wait3A_216 = arith.constant 0 : i32
      %dma_wait3A_217 = arith.constant 0 : i32
      %dma_wait3A_218 = tpu.memref_slice %arg8[%dma_wait3A_215, %dma_wait3A_216, %dma_wait3A_217] : memref<4x200x64xf32, #tpu.memory_space<vmem>> -> memref<1x200x64xf32, #tpu.memory_space<vmem>>
      %dma_wait3A_219 = tpu.memref_squeeze %dma_wait3A_218 : memref<1x200x64xf32, #tpu.memory_space<vmem>> -> memref<200x64xf32, #tpu.memory_space<vmem>>
      %dma_wait3A_220 = arith.constant 0 : i32
      %dma_wait3A_221 = arith.constant 0 : i32
      %dma_wait3A_222 = tpu.memref_slice %arg5[%dma_wait3A_214, %dma_wait3A_220, %dma_wait3A_221] : memref<4096x200x64xf32, #tpu.memory_space<hbm>> -> memref<1x200x64xf32, #tpu.memory_space<hbm>>
      %dma_wait3A_223 = tpu.memref_squeeze %dma_wait3A_222 : memref<1x200x64xf32, #tpu.memory_space<hbm>> -> memref<200x64xf32, #tpu.memory_space<hbm>>
      %dma_wait3A_224 = arith.constant 0 : i32
      %dma_wait3A_225 = arith.constant 0 : i32
      %dma_wait3A_226 = tpu.memref_slice %arg8[%dma_wait3A_215, %dma_wait3A_224, %dma_wait3A_225] : memref<4x200x64xf32, #tpu.memory_space<vmem>> -> memref<1x200x64xf32, #tpu.memory_space<vmem>>
      %dma_wait3A_227 = tpu.memref_squeeze %dma_wait3A_226 : memref<1x200x64xf32, #tpu.memory_space<vmem>> -> memref<200x64xf32, #tpu.memory_space<vmem>>
      %dma_wait3A_228 = arith.constant 0 : i32
      %dma_wait3A_229 = arith.constant 0 : i32
      %dma_wait3A_230 = tpu.memref_slice %arg5[%dma_wait3A_214, %dma_wait3A_228, %dma_wait3A_229] : memref<4096x200x64xf32, #tpu.memory_space<hbm>> -> memref<1x200x64xf32, #tpu.memory_space<hbm>>
      %dma_wait3A_231 = tpu.memref_squeeze %dma_wait3A_230 : memref<1x200x64xf32, #tpu.memory_space<hbm>> -> memref<200x64xf32, #tpu.memory_space<hbm>>
      tpu.wait_dma2 semaphore(%arg10 : memref<!tpu.dma_semaphore, #tpu.memory_space<semaphore_mem>>) src(%dma_wait3A_231 : memref<200x64xf32, #tpu.memory_space<hbm>>) dst(%dma_wait3A_227 : memref<200x64xf32, #tpu.memory_space<vmem>>)
      %add3A_232 = arith.addi %mul3A_2, %add3A_213 : i32
      %dma_start3A_233 = arith.constant 1 : i32
      %dma_start3A_234 = arith.constant 0 : i32
      %dma_start3A_235 = arith.constant 0 : i32
      %dma_start3A_236 = tpu.memref_slice %arg8[%dma_start3A_233, %dma_start3A_234, %dma_start3A_235] : memref<4x200x64xf32, #tpu.memory_space<vmem>> -> memref<1x200x64xf32, #tpu.memory_space<vmem>>
      %dma_start3A_237 = tpu.memref_squeeze %dma_start3A_236 : memref<1x200x64xf32, #tpu.memory_space<vmem>> -> memref<200x64xf32, #tpu.memory_space<vmem>>
      %dma_start3A_238 = arith.constant 0 : i32
      %dma_start3A_239 = arith.constant 0 : i32
      %dma_start3A_240 = tpu.memref_slice %arg5[%add3A_232, %dma_start3A_238, %dma_start3A_239] : memref<4096x200x64xf32, #tpu.memory_space<hbm>> -> memref<1x200x64xf32, #tpu.memory_space<hbm>>
      %dma_start3A_241 = tpu.memref_squeeze %dma_start3A_240 : memref<1x200x64xf32, #tpu.memory_space<hbm>> -> memref<200x64xf32, #tpu.memory_space<hbm>>
      %dma_start3A_242 = arith.constant 0 : i32
      %dma_start3A_243 = arith.constant 0 : i32
      %dma_start3A_244 = tpu.memref_slice %arg5[%add3A_232, %dma_start3A_242, %dma_start3A_243] : memref<4096x200x64xf32, #tpu.memory_space<hbm>> -> memref<1x200x64xf32, #tpu.memory_space<hbm>>
      %dma_start3A_245 = tpu.memref_squeeze %dma_start3A_244 : memref<1x200x64xf32, #tpu.memory_space<hbm>> -> memref<200x64xf32, #tpu.memory_space<hbm>>
      %dma_start3A_246 = arith.constant 0 : i32
      %dma_start3A_247 = arith.constant 0 : i32
      %dma_start3A_248 = tpu.memref_slice %arg8[%dma_start3A_233, %dma_start3A_246, %dma_start3A_247] : memref<4x200x64xf32, #tpu.memory_space<vmem>> -> memref<1x200x64xf32, #tpu.memory_space<vmem>>
      %dma_start3A_249 = tpu.memref_squeeze %dma_start3A_248 : memref<1x200x64xf32, #tpu.memory_space<vmem>> -> memref<200x64xf32, #tpu.memory_space<vmem>>
      tpu.enqueue_dma source(%dma_start3A_249 : memref<200x64xf32, #tpu.memory_space<vmem>>) target(%dma_start3A_245 : memref<200x64xf32, #tpu.memory_space<hbm>>) target_semaphore(%arg14 : memref<!tpu.dma_semaphore, #tpu.memory_space<semaphore_mem>>)
      %add3A_250 = arith.constant 4 : i32
      %add3A_251 = arith.addi %add3A_213, %add3A_250 : i32
      %lt3A_252 = arith.constant 128 : i32
      %lt3A_253 = arith.cmpi slt, %add3A_251, %lt3A_252 : i32
      %convert_element_type3A_254 = arith.extui %lt3A_253 : i1 to i32
      %cond3A_255 = arith.constant 0 : i32
      %cond3A_256 = arith.cmpi ne, %convert_element_type3A_254, %cond3A_255 : i32
      scf.if %cond3A_256 {
        %dma_wait3A_347 = arith.constant 1 : i32
        %dma_wait3A_348 = arith.constant 0 : i32
        %dma_wait3A_349 = arith.constant 0 : i32
        %dma_wait3A_350 = arith.constant 0 : i32
        %dma_wait3A_351 = tpu.memref_slice %arg8[%dma_wait3A_347, %dma_wait3A_349, %dma_wait3A_350] : memref<4x200x64xf32, #tpu.memory_space<vmem>> -> memref<1x200x64xf32, #tpu.memory_space<vmem>>
        %dma_wait3A_352 = tpu.memref_squeeze %dma_wait3A_351 : memref<1x200x64xf32, #tpu.memory_space<vmem>> -> memref<200x64xf32, #tpu.memory_space<vmem>>
        %dma_wait3A_353 = arith.constant 0 : i32
        %dma_wait3A_354 = arith.constant 0 : i32
        %dma_wait3A_355 = tpu.memref_slice %arg5[%dma_wait3A_348, %dma_wait3A_353, %dma_wait3A_354] : memref<4096x200x64xf32, #tpu.memory_space<hbm>> -> memref<1x200x64xf32, #tpu.memory_space<hbm>>
        %dma_wait3A_356 = tpu.memref_squeeze %dma_wait3A_355 : memref<1x200x64xf32, #tpu.memory_space<hbm>> -> memref<200x64xf32, #tpu.memory_space<hbm>>
        %dma_wait3A_357 = arith.constant 0 : i32
        %dma_wait3A_358 = arith.constant 0 : i32
        %dma_wait3A_359 = tpu.memref_slice %arg5[%dma_wait3A_348, %dma_wait3A_357, %dma_wait3A_358] : memref<4096x200x64xf32, #tpu.memory_space<hbm>> -> memref<1x200x64xf32, #tpu.memory_space<hbm>>
        %dma_wait3A_360 = tpu.memref_squeeze %dma_wait3A_359 : memref<1x200x64xf32, #tpu.memory_space<hbm>> -> memref<200x64xf32, #tpu.memory_space<hbm>>
        %dma_wait3A_361 = arith.constant 0 : i32
        %dma_wait3A_362 = arith.constant 0 : i32
        %dma_wait3A_363 = tpu.memref_slice %arg8[%dma_wait3A_347, %dma_wait3A_361, %dma_wait3A_362] : memref<4x200x64xf32, #tpu.memory_space<vmem>> -> memref<1x200x64xf32, #tpu.memory_space<vmem>>
        %dma_wait3A_364 = tpu.memref_squeeze %dma_wait3A_363 : memref<1x200x64xf32, #tpu.memory_space<vmem>> -> memref<200x64xf32, #tpu.memory_space<vmem>>
        tpu.wait_dma2 semaphore(%arg14 : memref<!tpu.dma_semaphore, #tpu.memory_space<semaphore_mem>>) src(%dma_wait3A_364 : memref<200x64xf32, #tpu.memory_space<vmem>>) dst(%dma_wait3A_360 : memref<200x64xf32, #tpu.memory_space<hbm>>)
        %add3A_365 = arith.constant 4 : i32
        %add3A_366 = arith.addi %add3A_213, %add3A_365 : i32
        %run_scoped3A_367 = arith.constant 1 : i32
        "tpu.region"() ({
          %run_scoped3A_392 = tpu.sem_alloc : memref<!tpu.dma_semaphore, #tpu.memory_space<semaphore_mem>>
          %dma_start3A_393 = arith.constant 0 : i32
          %dma_start3A_394 = arith.constant 0 : i32
          %dma_start3A_395 = tpu.memref_slice %arg8[%run_scoped3A_367, %dma_start3A_393, %dma_start3A_394] : memref<4x200x64xf32, #tpu.memory_space<vmem>> -> memref<1x200x64xf32, #tpu.memory_space<vmem>>
          %dma_start3A_396 = tpu.memref_squeeze %dma_start3A_395 : memref<1x200x64xf32, #tpu.memory_space<vmem>> -> memref<200x64xf32, #tpu.memory_space<vmem>>
          %dma_start3A_397 = arith.constant 0 : i32
          %dma_start3A_398 = arith.constant 0 : i32
          %dma_start3A_399 = tpu.memref_slice %arg8[%run_scoped3A_367, %dma_start3A_397, %dma_start3A_398] : memref<4x200x64xf32, #tpu.memory_space<vmem>> -> memref<1x200x64xf32, #tpu.memory_space<vmem>>
          %dma_start3A_400 = tpu.memref_squeeze %dma_start3A_399 : memref<1x200x64xf32, #tpu.memory_space<vmem>> -> memref<200x64xf32, #tpu.memory_space<vmem>>
          tpu.enqueue_dma source(%arg7 : memref<200x64xf32, #tpu.memory_space<vmem_shared>>) target(%dma_start3A_400 : memref<200x64xf32, #tpu.memory_space<vmem>>) target_semaphore(%run_scoped3A_392 : memref<!tpu.dma_semaphore, #tpu.memory_space<semaphore_mem>>)
          %dma_wait3A_401 = arith.constant 0 : i32
          %dma_wait3A_402 = arith.constant 0 : i32
          %dma_wait3A_403 = tpu.memref_slice %arg8[%run_scoped3A_367, %dma_wait3A_401, %dma_wait3A_402] : memref<4x200x64xf32, #tpu.memory_space<vmem>> -> memref<1x200x64xf32, #tpu.memory_space<vmem>>
          %dma_wait3A_404 = tpu.memref_squeeze %dma_wait3A_403 : memref<1x200x64xf32, #tpu.memory_space<vmem>> -> memref<200x64xf32, #tpu.memory_space<vmem>>
          %dma_wait3A_405 = arith.constant 0 : i32
          %dma_wait3A_406 = arith.constant 0 : i32
          %dma_wait3A_407 = tpu.memref_slice %arg8[%run_scoped3A_367, %dma_wait3A_405, %dma_wait3A_406] : memref<4x200x64xf32, #tpu.memory_space<vmem>> -> memref<1x200x64xf32, #tpu.memory_space<vmem>>
          %dma_wait3A_408 = tpu.memref_squeeze %dma_wait3A_407 : memref<1x200x64xf32, #tpu.memory_space<vmem>> -> memref<200x64xf32, #tpu.memory_space<vmem>>
          tpu.wait_dma2 semaphore(%run_scoped3A_392 : memref<!tpu.dma_semaphore, #tpu.memory_space<semaphore_mem>>) src(%arg7 : memref<200x64xf32, #tpu.memory_space<vmem_shared>>) dst(%dma_wait3A_408 : memref<200x64xf32, #tpu.memory_space<vmem>>)
          tpu.yield
        }) : () -> ()
        %mul3A_368 = arith.constant 200 : i32
        %mul3A_369 = arith.muli %add3A_366, %mul3A_368 : i32
        %dma_start3A_370 = arith.constant 1 : i32
        %dma_start3A_371 = arith.constant 0 : i32
        %dma_start3A_372 = arith.constant 0 : i32
        %dma_start3A_373 = tpu.memref_slice %arg8[%dma_start3A_370, %dma_start3A_371, %dma_start3A_372] : memref<4x200x64xf32, #tpu.memory_space<vmem>> -> memref<1x128x64xf32, #tpu.memory_space<vmem>>
        %dma_start3A_374 = tpu.memref_squeeze %dma_start3A_373 : memref<1x128x64xf32, #tpu.memory_space<vmem>> -> memref<128x64xf32, #tpu.memory_space<vmem>>
        %dma_start3A_375 = tpu.memref_slice %arg6[%mul3A_369] : memref<25600xi32, #tpu.memory_space<vmem>> -> memref<128xi32, #tpu.memory_space<vmem>>
        %dma_start3A_376 = arith.constant 0 : i32
        %dma_start3A_377 = arith.constant 0 : i32
        %dma_start3A_378 = tpu.memref_slice %arg2[%dma_start3A_376, %dma_start3A_377] : memref<100000x64xf32, #tpu.memory_space<hbm>> -> memref<100000x64xf32, #tpu.memory_space<hbm>>
        tpu.enqueue_indirect_dma source(%dma_start3A_378 : memref<100000x64xf32, #tpu.memory_space<hbm>>) target(%dma_start3A_374 : memref<128x64xf32, #tpu.memory_space<vmem>>) offsets(%dma_start3A_375 : memref<128xi32, #tpu.memory_space<vmem>>) semaphore(%arg10 : memref<!tpu.dma_semaphore, #tpu.memory_space<semaphore_mem>>) {add = true}
        %mul3A_379 = arith.constant 200 : i32
        %mul3A_380 = arith.muli %add3A_366, %mul3A_379 : i32
        %add3A_381 = arith.constant 128 : i32
        %add3A_382 = arith.addi %mul3A_380, %add3A_381 : i32
        %dma_start3A_383 = arith.constant 1 : i32
        %dma_start3A_384 = arith.constant 128 : i32
        %dma_start3A_385 = arith.constant 0 : i32
        %dma_start3A_386 = tpu.memref_slice %arg8[%dma_start3A_383, %dma_start3A_384, %dma_start3A_385] : memref<4x200x64xf32, #tpu.memory_space<vmem>> -> memref<1x72x64xf32, #tpu.memory_space<vmem>>
        %dma_start3A_387 = tpu.memref_squeeze %dma_start3A_386 : memref<1x72x64xf32, #tpu.memory_space<vmem>> -> memref<72x64xf32, #tpu.memory_space<vmem>>
        %dma_start3A_388 = tpu.memref_slice %arg6[%add3A_382] : memref<25600xi32, #tpu.memory_space<vmem>> -> memref<72xi32, #tpu.memory_space<vmem>>
        %dma_start3A_389 = arith.constant 0 : i32
        %dma_start3A_390 = arith.constant 0 : i32
        %dma_start3A_391 = tpu.memref_slice %arg2[%dma_start3A_389, %dma_start3A_390] : memref<100000x64xf32, #tpu.memory_space<hbm>> -> memref<100000x64xf32, #tpu.memory_space<hbm>>
        tpu.enqueue_indirect_dma source(%dma_start3A_391 : memref<100000x64xf32, #tpu.memory_space<hbm>>) target(%dma_start3A_387 : memref<72x64xf32, #tpu.memory_space<vmem>>) offsets(%dma_start3A_388 : memref<72xi32, #tpu.memory_space<vmem>>) semaphore(%arg10 : memref<!tpu.dma_semaphore, #tpu.memory_space<semaphore_mem>>) {add = true}
      } else {
      }
      %add3A_257 = arith.constant 2 : i32
      %add3A_258 = arith.addi %mul3A_167, %add3A_257 : i32
      %dma_wait3A_259 = arith.constant 0 : i32
      %dma_wait3A_260 = arith.constant 2 : i32
      %dma_wait3A_261 = arith.constant 0 : i32
      %dma_wait3A_262 = arith.constant 0 : i32
      %dma_wait3A_263 = tpu.memref_slice %arg8[%dma_wait3A_260, %dma_wait3A_261, %dma_wait3A_262] : memref<4x200x64xf32, #tpu.memory_space<vmem>> -> memref<1x200x64xf32, #tpu.memory_space<vmem>>
      %dma_wait3A_264 = tpu.memref_squeeze %dma_wait3A_263 : memref<1x200x64xf32, #tpu.memory_space<vmem>> -> memref<200x64xf32, #tpu.memory_space<vmem>>
      %dma_wait3A_265 = arith.constant 0 : i32
      %dma_wait3A_266 = arith.constant 0 : i32
      %dma_wait3A_267 = tpu.memref_slice %arg5[%dma_wait3A_259, %dma_wait3A_265, %dma_wait3A_266] : memref<4096x200x64xf32, #tpu.memory_space<hbm>> -> memref<1x200x64xf32, #tpu.memory_space<hbm>>
      %dma_wait3A_268 = tpu.memref_squeeze %dma_wait3A_267 : memref<1x200x64xf32, #tpu.memory_space<hbm>> -> memref<200x64xf32, #tpu.memory_space<hbm>>
      %dma_wait3A_269 = arith.constant 0 : i32
      %dma_wait3A_270 = arith.constant 0 : i32
      %dma_wait3A_271 = tpu.memref_slice %arg8[%dma_wait3A_260, %dma_wait3A_269, %dma_wait3A_270] : memref<4x200x64xf32, #tpu.memory_space<vmem>> -> memref<1x200x64xf32, #tpu.memory_space<vmem>>
      %dma_wait3A_272 = tpu.memref_squeeze %dma_wait3A_271 : memref<1x200x64xf32, #tpu.memory_space<vmem>> -> memref<200x64xf32, #tpu.memory_space<vmem>>
      %dma_wait3A_273 = arith.constant 0 : i32
      %dma_wait3A_274 = arith.constant 0 : i32
      %dma_wait3A_275 = tpu.memref_slice %arg5[%dma_wait3A_259, %dma_wait3A_273, %dma_wait3A_274] : memref<4096x200x64xf32, #tpu.memory_space<hbm>> -> memref<1x200x64xf32, #tpu.memory_space<hbm>>
      %dma_wait3A_276 = tpu.memref_squeeze %dma_wait3A_275 : memref<1x200x64xf32, #tpu.memory_space<hbm>> -> memref<200x64xf32, #tpu.memory_space<hbm>>
      tpu.wait_dma2 semaphore(%arg11 : memref<!tpu.dma_semaphore, #tpu.memory_space<semaphore_mem>>) src(%dma_wait3A_276 : memref<200x64xf32, #tpu.memory_space<hbm>>) dst(%dma_wait3A_272 : memref<200x64xf32, #tpu.memory_space<vmem>>)
      %add3A_277 = arith.addi %mul3A_2, %add3A_258 : i32
      %dma_start3A_278 = arith.constant 2 : i32
      %dma_start3A_279 = arith.constant 0 : i32
      %dma_start3A_280 = arith.constant 0 : i32
      %dma_start3A_281 = tpu.memref_slice %arg8[%dma_start3A_278, %dma_start3A_279, %dma_start3A_280] : memref<4x200x64xf32, #tpu.memory_space<vmem>> -> memref<1x200x64xf32, #tpu.memory_space<vmem>>
      %dma_start3A_282 = tpu.memref_squeeze %dma_start3A_281 : memref<1x200x64xf32, #tpu.memory_space<vmem>> -> memref<200x64xf32, #tpu.memory_space<vmem>>
      %dma_start3A_283 = arith.constant 0 : i32
      %dma_start3A_284 = arith.constant 0 : i32
      %dma_start3A_285 = tpu.memref_slice %arg5[%add3A_277, %dma_start3A_283, %dma_start3A_284] : memref<4096x200x64xf32, #tpu.memory_space<hbm>> -> memref<1x200x64xf32, #tpu.memory_space<hbm>>
      %dma_start3A_286 = tpu.memref_squeeze %dma_start3A_285 : memref<1x200x64xf32, #tpu.memory_space<hbm>> -> memref<200x64xf32, #tpu.memory_space<hbm>>
      %dma_start3A_287 = arith.constant 0 : i32
      %dma_start3A_288 = arith.constant 0 : i32
      %dma_start3A_289 = tpu.memref_slice %arg5[%add3A_277, %dma_start3A_287, %dma_start3A_288] : memref<4096x200x64xf32, #tpu.memory_space<hbm>> -> memref<1x200x64xf32, #tpu.memory_space<hbm>>
      %dma_start3A_290 = tpu.memref_squeeze %dma_start3A_289 : memref<1x200x64xf32, #tpu.memory_space<hbm>> -> memref<200x64xf32, #tpu.memory_space<hbm>>
      %dma_start3A_291 = arith.constant 0 : i32
      %dma_start3A_292 = arith.constant 0 : i32
      %dma_start3A_293 = tpu.memref_slice %arg8[%dma_start3A_278, %dma_start3A_291, %dma_start3A_292] : memref<4x200x64xf32, #tpu.memory_space<vmem>> -> memref<1x200x64xf32, #tpu.memory_space<vmem>>
      %dma_start3A_294 = tpu.memref_squeeze %dma_start3A_293 : memref<1x200x64xf32, #tpu.memory_space<vmem>> -> memref<200x64xf32, #tpu.memory_space<vmem>>
      tpu.enqueue_dma source(%dma_start3A_294 : memref<200x64xf32, #tpu.memory_space<vmem>>) target(%dma_start3A_290 : memref<200x64xf32, #tpu.memory_space<hbm>>) target_semaphore(%arg15 : memref<!tpu.dma_semaphore, #tpu.memory_space<semaphore_mem>>)
      %add3A_295 = arith.constant 4 : i32
      %add3A_296 = arith.addi %add3A_258, %add3A_295 : i32
      %lt3A_297 = arith.constant 128 : i32
      %lt3A_298 = arith.cmpi slt, %add3A_296, %lt3A_297 : i32
      %convert_element_type3A_299 = arith.extui %lt3A_298 : i1 to i32
      %cond3A_300 = arith.constant 0 : i32
      %cond3A_301 = arith.cmpi ne, %convert_element_type3A_299, %cond3A_300 : i32
      scf.if %cond3A_301 {
        %dma_wait3A_347 = arith.constant 2 : i32
        %dma_wait3A_348 = arith.constant 0 : i32
        %dma_wait3A_349 = arith.constant 0 : i32
        %dma_wait3A_350 = arith.constant 0 : i32
        %dma_wait3A_351 = tpu.memref_slice %arg8[%dma_wait3A_347, %dma_wait3A_349, %dma_wait3A_350] : memref<4x200x64xf32, #tpu.memory_space<vmem>> -> memref<1x200x64xf32, #tpu.memory_space<vmem>>
        %dma_wait3A_352 = tpu.memref_squeeze %dma_wait3A_351 : memref<1x200x64xf32, #tpu.memory_space<vmem>> -> memref<200x64xf32, #tpu.memory_space<vmem>>
        %dma_wait3A_353 = arith.constant 0 : i32
        %dma_wait3A_354 = arith.constant 0 : i32
        %dma_wait3A_355 = tpu.memref_slice %arg5[%dma_wait3A_348, %dma_wait3A_353, %dma_wait3A_354] : memref<4096x200x64xf32, #tpu.memory_space<hbm>> -> memref<1x200x64xf32, #tpu.memory_space<hbm>>
        %dma_wait3A_356 = tpu.memref_squeeze %dma_wait3A_355 : memref<1x200x64xf32, #tpu.memory_space<hbm>> -> memref<200x64xf32, #tpu.memory_space<hbm>>
        %dma_wait3A_357 = arith.constant 0 : i32
        %dma_wait3A_358 = arith.constant 0 : i32
        %dma_wait3A_359 = tpu.memref_slice %arg5[%dma_wait3A_348, %dma_wait3A_357, %dma_wait3A_358] : memref<4096x200x64xf32, #tpu.memory_space<hbm>> -> memref<1x200x64xf32, #tpu.memory_space<hbm>>
        %dma_wait3A_360 = tpu.memref_squeeze %dma_wait3A_359 : memref<1x200x64xf32, #tpu.memory_space<hbm>> -> memref<200x64xf32, #tpu.memory_space<hbm>>
        %dma_wait3A_361 = arith.constant 0 : i32
        %dma_wait3A_362 = arith.constant 0 : i32
        %dma_wait3A_363 = tpu.memref_slice %arg8[%dma_wait3A_347, %dma_wait3A_361, %dma_wait3A_362] : memref<4x200x64xf32, #tpu.memory_space<vmem>> -> memref<1x200x64xf32, #tpu.memory_space<vmem>>
        %dma_wait3A_364 = tpu.memref_squeeze %dma_wait3A_363 : memref<1x200x64xf32, #tpu.memory_space<vmem>> -> memref<200x64xf32, #tpu.memory_space<vmem>>
        tpu.wait_dma2 semaphore(%arg15 : memref<!tpu.dma_semaphore, #tpu.memory_space<semaphore_mem>>) src(%dma_wait3A_364 : memref<200x64xf32, #tpu.memory_space<vmem>>) dst(%dma_wait3A_360 : memref<200x64xf32, #tpu.memory_space<hbm>>)
        %add3A_365 = arith.constant 4 : i32
        %add3A_366 = arith.addi %add3A_258, %add3A_365 : i32
        %run_scoped3A_367 = arith.constant 2 : i32
        "tpu.region"() ({
          %run_scoped3A_392 = tpu.sem_alloc : memref<!tpu.dma_semaphore, #tpu.memory_space<semaphore_mem>>
          %dma_start3A_393 = arith.constant 0 : i32
          %dma_start3A_394 = arith.constant 0 : i32
          %dma_start3A_395 = tpu.memref_slice %arg8[%run_scoped3A_367, %dma_start3A_393, %dma_start3A_394] : memref<4x200x64xf32, #tpu.memory_space<vmem>> -> memref<1x200x64xf32, #tpu.memory_space<vmem>>
          %dma_start3A_396 = tpu.memref_squeeze %dma_start3A_395 : memref<1x200x64xf32, #tpu.memory_space<vmem>> -> memref<200x64xf32, #tpu.memory_space<vmem>>
          %dma_start3A_397 = arith.constant 0 : i32
          %dma_start3A_398 = arith.constant 0 : i32
          %dma_start3A_399 = tpu.memref_slice %arg8[%run_scoped3A_367, %dma_start3A_397, %dma_start3A_398] : memref<4x200x64xf32, #tpu.memory_space<vmem>> -> memref<1x200x64xf32, #tpu.memory_space<vmem>>
          %dma_start3A_400 = tpu.memref_squeeze %dma_start3A_399 : memref<1x200x64xf32, #tpu.memory_space<vmem>> -> memref<200x64xf32, #tpu.memory_space<vmem>>
          tpu.enqueue_dma source(%arg7 : memref<200x64xf32, #tpu.memory_space<vmem_shared>>) target(%dma_start3A_400 : memref<200x64xf32, #tpu.memory_space<vmem>>) target_semaphore(%run_scoped3A_392 : memref<!tpu.dma_semaphore, #tpu.memory_space<semaphore_mem>>)
          %dma_wait3A_401 = arith.constant 0 : i32
          %dma_wait3A_402 = arith.constant 0 : i32
          %dma_wait3A_403 = tpu.memref_slice %arg8[%run_scoped3A_367, %dma_wait3A_401, %dma_wait3A_402] : memref<4x200x64xf32, #tpu.memory_space<vmem>> -> memref<1x200x64xf32, #tpu.memory_space<vmem>>
          %dma_wait3A_404 = tpu.memref_squeeze %dma_wait3A_403 : memref<1x200x64xf32, #tpu.memory_space<vmem>> -> memref<200x64xf32, #tpu.memory_space<vmem>>
          %dma_wait3A_405 = arith.constant 0 : i32
          %dma_wait3A_406 = arith.constant 0 : i32
          %dma_wait3A_407 = tpu.memref_slice %arg8[%run_scoped3A_367, %dma_wait3A_405, %dma_wait3A_406] : memref<4x200x64xf32, #tpu.memory_space<vmem>> -> memref<1x200x64xf32, #tpu.memory_space<vmem>>
          %dma_wait3A_408 = tpu.memref_squeeze %dma_wait3A_407 : memref<1x200x64xf32, #tpu.memory_space<vmem>> -> memref<200x64xf32, #tpu.memory_space<vmem>>
          tpu.wait_dma2 semaphore(%run_scoped3A_392 : memref<!tpu.dma_semaphore, #tpu.memory_space<semaphore_mem>>) src(%arg7 : memref<200x64xf32, #tpu.memory_space<vmem_shared>>) dst(%dma_wait3A_408 : memref<200x64xf32, #tpu.memory_space<vmem>>)
          tpu.yield
        }) : () -> ()
        %mul3A_368 = arith.constant 200 : i32
        %mul3A_369 = arith.muli %add3A_366, %mul3A_368 : i32
        %dma_start3A_370 = arith.constant 2 : i32
        %dma_start3A_371 = arith.constant 0 : i32
        %dma_start3A_372 = arith.constant 0 : i32
        %dma_start3A_373 = tpu.memref_slice %arg8[%dma_start3A_370, %dma_start3A_371, %dma_start3A_372] : memref<4x200x64xf32, #tpu.memory_space<vmem>> -> memref<1x128x64xf32, #tpu.memory_space<vmem>>
        %dma_start3A_374 = tpu.memref_squeeze %dma_start3A_373 : memref<1x128x64xf32, #tpu.memory_space<vmem>> -> memref<128x64xf32, #tpu.memory_space<vmem>>
        %dma_start3A_375 = tpu.memref_slice %arg6[%mul3A_369] : memref<25600xi32, #tpu.memory_space<vmem>> -> memref<128xi32, #tpu.memory_space<vmem>>
        %dma_start3A_376 = arith.constant 0 : i32
        %dma_start3A_377 = arith.constant 0 : i32
        %dma_start3A_378 = tpu.memref_slice %arg2[%dma_start3A_376, %dma_start3A_377] : memref<100000x64xf32, #tpu.memory_space<hbm>> -> memref<100000x64xf32, #tpu.memory_space<hbm>>
        tpu.enqueue_indirect_dma source(%dma_start3A_378 : memref<100000x64xf32, #tpu.memory_space<hbm>>) target(%dma_start3A_374 : memref<128x64xf32, #tpu.memory_space<vmem>>) offsets(%dma_start3A_375 : memref<128xi32, #tpu.memory_space<vmem>>) semaphore(%arg11 : memref<!tpu.dma_semaphore, #tpu.memory_space<semaphore_mem>>) {add = true}
        %mul3A_379 = arith.constant 200 : i32
        %mul3A_380 = arith.muli %add3A_366, %mul3A_379 : i32
        %add3A_381 = arith.constant 128 : i32
        %add3A_382 = arith.addi %mul3A_380, %add3A_381 : i32
        %dma_start3A_383 = arith.constant 2 : i32
        %dma_start3A_384 = arith.constant 128 : i32
        %dma_start3A_385 = arith.constant 0 : i32
        %dma_start3A_386 = tpu.memref_slice %arg8[%dma_start3A_383, %dma_start3A_384, %dma_start3A_385] : memref<4x200x64xf32, #tpu.memory_space<vmem>> -> memref<1x72x64xf32, #tpu.memory_space<vmem>>
        %dma_start3A_387 = tpu.memref_squeeze %dma_start3A_386 : memref<1x72x64xf32, #tpu.memory_space<vmem>> -> memref<72x64xf32, #tpu.memory_space<vmem>>
        %dma_start3A_388 = tpu.memref_slice %arg6[%add3A_382] : memref<25600xi32, #tpu.memory_space<vmem>> -> memref<72xi32, #tpu.memory_space<vmem>>
        %dma_start3A_389 = arith.constant 0 : i32
        %dma_start3A_390 = arith.constant 0 : i32
        %dma_start3A_391 = tpu.memref_slice %arg2[%dma_start3A_389, %dma_start3A_390] : memref<100000x64xf32, #tpu.memory_space<hbm>> -> memref<100000x64xf32, #tpu.memory_space<hbm>>
        tpu.enqueue_indirect_dma source(%dma_start3A_391 : memref<100000x64xf32, #tpu.memory_space<hbm>>) target(%dma_start3A_387 : memref<72x64xf32, #tpu.memory_space<vmem>>) offsets(%dma_start3A_388 : memref<72xi32, #tpu.memory_space<vmem>>) semaphore(%arg11 : memref<!tpu.dma_semaphore, #tpu.memory_space<semaphore_mem>>) {add = true}
      } else {
      }
      %add3A_302 = arith.constant 3 : i32
      %add3A_303 = arith.addi %mul3A_167, %add3A_302 : i32
      %dma_wait3A_304 = arith.constant 0 : i32
      %dma_wait3A_305 = arith.constant 3 : i32
      %dma_wait3A_306 = arith.constant 0 : i32
      %dma_wait3A_307 = arith.constant 0 : i32
      %dma_wait3A_308 = tpu.memref_slice %arg8[%dma_wait3A_305, %dma_wait3A_306, %dma_wait3A_307] : memref<4x200x64xf32, #tpu.memory_space<vmem>> -> memref<1x200x64xf32, #tpu.memory_space<vmem>>
      %dma_wait3A_309 = tpu.memref_squeeze %dma_wait3A_308 : memref<1x200x64xf32, #tpu.memory_space<vmem>> -> memref<200x64xf32, #tpu.memory_space<vmem>>
      %dma_wait3A_310 = arith.constant 0 : i32
      %dma_wait3A_311 = arith.constant 0 : i32
      %dma_wait3A_312 = tpu.memref_slice %arg5[%dma_wait3A_304, %dma_wait3A_310, %dma_wait3A_311] : memref<4096x200x64xf32, #tpu.memory_space<hbm>> -> memref<1x200x64xf32, #tpu.memory_space<hbm>>
      %dma_wait3A_313 = tpu.memref_squeeze %dma_wait3A_312 : memref<1x200x64xf32, #tpu.memory_space<hbm>> -> memref<200x64xf32, #tpu.memory_space<hbm>>
      %dma_wait3A_314 = arith.constant 0 : i32
      %dma_wait3A_315 = arith.constant 0 : i32
      %dma_wait3A_316 = tpu.memref_slice %arg8[%dma_wait3A_305, %dma_wait3A_314, %dma_wait3A_315] : memref<4x200x64xf32, #tpu.memory_space<vmem>> -> memref<1x200x64xf32, #tpu.memory_space<vmem>>
      %dma_wait3A_317 = tpu.memref_squeeze %dma_wait3A_316 : memref<1x200x64xf32, #tpu.memory_space<vmem>> -> memref<200x64xf32, #tpu.memory_space<vmem>>
      %dma_wait3A_318 = arith.constant 0 : i32
      %dma_wait3A_319 = arith.constant 0 : i32
      %dma_wait3A_320 = tpu.memref_slice %arg5[%dma_wait3A_304, %dma_wait3A_318, %dma_wait3A_319] : memref<4096x200x64xf32, #tpu.memory_space<hbm>> -> memref<1x200x64xf32, #tpu.memory_space<hbm>>
      %dma_wait3A_321 = tpu.memref_squeeze %dma_wait3A_320 : memref<1x200x64xf32, #tpu.memory_space<hbm>> -> memref<200x64xf32, #tpu.memory_space<hbm>>
      tpu.wait_dma2 semaphore(%arg12 : memref<!tpu.dma_semaphore, #tpu.memory_space<semaphore_mem>>) src(%dma_wait3A_321 : memref<200x64xf32, #tpu.memory_space<hbm>>) dst(%dma_wait3A_317 : memref<200x64xf32, #tpu.memory_space<vmem>>)
      %add3A_322 = arith.addi %mul3A_2, %add3A_303 : i32
      %dma_start3A_323 = arith.constant 3 : i32
      %dma_start3A_324 = arith.constant 0 : i32
      %dma_start3A_325 = arith.constant 0 : i32
      %dma_start3A_326 = tpu.memref_slice %arg8[%dma_start3A_323, %dma_start3A_324, %dma_start3A_325] : memref<4x200x64xf32, #tpu.memory_space<vmem>> -> memref<1x200x64xf32, #tpu.memory_space<vmem>>
      %dma_start3A_327 = tpu.memref_squeeze %dma_start3A_326 : memref<1x200x64xf32, #tpu.memory_space<vmem>> -> memref<200x64xf32, #tpu.memory_space<vmem>>
      %dma_start3A_328 = arith.constant 0 : i32
      %dma_start3A_329 = arith.constant 0 : i32
      %dma_start3A_330 = tpu.memref_slice %arg5[%add3A_322, %dma_start3A_328, %dma_start3A_329] : memref<4096x200x64xf32, #tpu.memory_space<hbm>> -> memref<1x200x64xf32, #tpu.memory_space<hbm>>
      %dma_start3A_331 = tpu.memref_squeeze %dma_start3A_330 : memref<1x200x64xf32, #tpu.memory_space<hbm>> -> memref<200x64xf32, #tpu.memory_space<hbm>>
      %dma_start3A_332 = arith.constant 0 : i32
      %dma_start3A_333 = arith.constant 0 : i32
      %dma_start3A_334 = tpu.memref_slice %arg5[%add3A_322, %dma_start3A_332, %dma_start3A_333] : memref<4096x200x64xf32, #tpu.memory_space<hbm>> -> memref<1x200x64xf32, #tpu.memory_space<hbm>>
      %dma_start3A_335 = tpu.memref_squeeze %dma_start3A_334 : memref<1x200x64xf32, #tpu.memory_space<hbm>> -> memref<200x64xf32, #tpu.memory_space<hbm>>
      %dma_start3A_336 = arith.constant 0 : i32
      %dma_start3A_337 = arith.constant 0 : i32
      %dma_start3A_338 = tpu.memref_slice %arg8[%dma_start3A_323, %dma_start3A_336, %dma_start3A_337] : memref<4x200x64xf32, #tpu.memory_space<vmem>> -> memref<1x200x64xf32, #tpu.memory_space<vmem>>
      %dma_start3A_339 = tpu.memref_squeeze %dma_start3A_338 : memref<1x200x64xf32, #tpu.memory_space<vmem>> -> memref<200x64xf32, #tpu.memory_space<vmem>>
      tpu.enqueue_dma source(%dma_start3A_339 : memref<200x64xf32, #tpu.memory_space<vmem>>) target(%dma_start3A_335 : memref<200x64xf32, #tpu.memory_space<hbm>>) target_semaphore(%arg16 : memref<!tpu.dma_semaphore, #tpu.memory_space<semaphore_mem>>)
      %add3A_340 = arith.constant 4 : i32
      %add3A_341 = arith.addi %add3A_303, %add3A_340 : i32
      %lt3A_342 = arith.constant 128 : i32
      %lt3A_343 = arith.cmpi slt, %add3A_341, %lt3A_342 : i32
      %convert_element_type3A_344 = arith.extui %lt3A_343 : i1 to i32
      %cond3A_345 = arith.constant 0 : i32
      %cond3A_346 = arith.cmpi ne, %convert_element_type3A_344, %cond3A_345 : i32
      scf.if %cond3A_346 {
        %dma_wait3A_347 = arith.constant 3 : i32
        %dma_wait3A_348 = arith.constant 0 : i32
        %dma_wait3A_349 = arith.constant 0 : i32
        %dma_wait3A_350 = arith.constant 0 : i32
        %dma_wait3A_351 = tpu.memref_slice %arg8[%dma_wait3A_347, %dma_wait3A_349, %dma_wait3A_350] : memref<4x200x64xf32, #tpu.memory_space<vmem>> -> memref<1x200x64xf32, #tpu.memory_space<vmem>>
        %dma_wait3A_352 = tpu.memref_squeeze %dma_wait3A_351 : memref<1x200x64xf32, #tpu.memory_space<vmem>> -> memref<200x64xf32, #tpu.memory_space<vmem>>
        %dma_wait3A_353 = arith.constant 0 : i32
        %dma_wait3A_354 = arith.constant 0 : i32
        %dma_wait3A_355 = tpu.memref_slice %arg5[%dma_wait3A_348, %dma_wait3A_353, %dma_wait3A_354] : memref<4096x200x64xf32, #tpu.memory_space<hbm>> -> memref<1x200x64xf32, #tpu.memory_space<hbm>>
        %dma_wait3A_356 = tpu.memref_squeeze %dma_wait3A_355 : memref<1x200x64xf32, #tpu.memory_space<hbm>> -> memref<200x64xf32, #tpu.memory_space<hbm>>
        %dma_wait3A_357 = arith.constant 0 : i32
        %dma_wait3A_358 = arith.constant 0 : i32
        %dma_wait3A_359 = tpu.memref_slice %arg5[%dma_wait3A_348, %dma_wait3A_357, %dma_wait3A_358] : memref<4096x200x64xf32, #tpu.memory_space<hbm>> -> memref<1x200x64xf32, #tpu.memory_space<hbm>>
        %dma_wait3A_360 = tpu.memref_squeeze %dma_wait3A_359 : memref<1x200x64xf32, #tpu.memory_space<hbm>> -> memref<200x64xf32, #tpu.memory_space<hbm>>
        %dma_wait3A_361 = arith.constant 0 : i32
        %dma_wait3A_362 = arith.constant 0 : i32
        %dma_wait3A_363 = tpu.memref_slice %arg8[%dma_wait3A_347, %dma_wait3A_361, %dma_wait3A_362] : memref<4x200x64xf32, #tpu.memory_space<vmem>> -> memref<1x200x64xf32, #tpu.memory_space<vmem>>
        %dma_wait3A_364 = tpu.memref_squeeze %dma_wait3A_363 : memref<1x200x64xf32, #tpu.memory_space<vmem>> -> memref<200x64xf32, #tpu.memory_space<vmem>>
        tpu.wait_dma2 semaphore(%arg16 : memref<!tpu.dma_semaphore, #tpu.memory_space<semaphore_mem>>) src(%dma_wait3A_364 : memref<200x64xf32, #tpu.memory_space<vmem>>) dst(%dma_wait3A_360 : memref<200x64xf32, #tpu.memory_space<hbm>>)
        %add3A_365 = arith.constant 4 : i32
        %add3A_366 = arith.addi %add3A_303, %add3A_365 : i32
        %run_scoped3A_367 = arith.constant 3 : i32
        "tpu.region"() ({
          %run_scoped3A_392 = tpu.sem_alloc : memref<!tpu.dma_semaphore, #tpu.memory_space<semaphore_mem>>
          %dma_start3A_393 = arith.constant 0 : i32
          %dma_start3A_394 = arith.constant 0 : i32
          %dma_start3A_395 = tpu.memref_slice %arg8[%run_scoped3A_367, %dma_start3A_393, %dma_start3A_394] : memref<4x200x64xf32, #tpu.memory_space<vmem>> -> memref<1x200x64xf32, #tpu.memory_space<vmem>>
          %dma_start3A_396 = tpu.memref_squeeze %dma_start3A_395 : memref<1x200x64xf32, #tpu.memory_space<vmem>> -> memref<200x64xf32, #tpu.memory_space<vmem>>
          %dma_start3A_397 = arith.constant 0 : i32
          %dma_start3A_398 = arith.constant 0 : i32
          %dma_start3A_399 = tpu.memref_slice %arg8[%run_scoped3A_367, %dma_start3A_397, %dma_start3A_398] : memref<4x200x64xf32, #tpu.memory_space<vmem>> -> memref<1x200x64xf32, #tpu.memory_space<vmem>>
          %dma_start3A_400 = tpu.memref_squeeze %dma_start3A_399 : memref<1x200x64xf32, #tpu.memory_space<vmem>> -> memref<200x64xf32, #tpu.memory_space<vmem>>
          tpu.enqueue_dma source(%arg7 : memref<200x64xf32, #tpu.memory_space<vmem_shared>>) target(%dma_start3A_400 : memref<200x64xf32, #tpu.memory_space<vmem>>) target_semaphore(%run_scoped3A_392 : memref<!tpu.dma_semaphore, #tpu.memory_space<semaphore_mem>>)
          %dma_wait3A_401 = arith.constant 0 : i32
          %dma_wait3A_402 = arith.constant 0 : i32
          %dma_wait3A_403 = tpu.memref_slice %arg8[%run_scoped3A_367, %dma_wait3A_401, %dma_wait3A_402] : memref<4x200x64xf32, #tpu.memory_space<vmem>> -> memref<1x200x64xf32, #tpu.memory_space<vmem>>
          %dma_wait3A_404 = tpu.memref_squeeze %dma_wait3A_403 : memref<1x200x64xf32, #tpu.memory_space<vmem>> -> memref<200x64xf32, #tpu.memory_space<vmem>>
          %dma_wait3A_405 = arith.constant 0 : i32
          %dma_wait3A_406 = arith.constant 0 : i32
          %dma_wait3A_407 = tpu.memref_slice %arg8[%run_scoped3A_367, %dma_wait3A_405, %dma_wait3A_406] : memref<4x200x64xf32, #tpu.memory_space<vmem>> -> memref<1x200x64xf32, #tpu.memory_space<vmem>>
          %dma_wait3A_408 = tpu.memref_squeeze %dma_wait3A_407 : memref<1x200x64xf32, #tpu.memory_space<vmem>> -> memref<200x64xf32, #tpu.memory_space<vmem>>
          tpu.wait_dma2 semaphore(%run_scoped3A_392 : memref<!tpu.dma_semaphore, #tpu.memory_space<semaphore_mem>>) src(%arg7 : memref<200x64xf32, #tpu.memory_space<vmem_shared>>) dst(%dma_wait3A_408 : memref<200x64xf32, #tpu.memory_space<vmem>>)
          tpu.yield
        }) : () -> ()
        %mul3A_368 = arith.constant 200 : i32
        %mul3A_369 = arith.muli %add3A_366, %mul3A_368 : i32
        %dma_start3A_370 = arith.constant 3 : i32
        %dma_start3A_371 = arith.constant 0 : i32
        %dma_start3A_372 = arith.constant 0 : i32
        %dma_start3A_373 = tpu.memref_slice %arg8[%dma_start3A_370, %dma_start3A_371, %dma_start3A_372] : memref<4x200x64xf32, #tpu.memory_space<vmem>> -> memref<1x128x64xf32, #tpu.memory_space<vmem>>
        %dma_start3A_374 = tpu.memref_squeeze %dma_start3A_373 : memref<1x128x64xf32, #tpu.memory_space<vmem>> -> memref<128x64xf32, #tpu.memory_space<vmem>>
        %dma_start3A_375 = tpu.memref_slice %arg6[%mul3A_369] : memref<25600xi32, #tpu.memory_space<vmem>> -> memref<128xi32, #tpu.memory_space<vmem>>
        %dma_start3A_376 = arith.constant 0 : i32
        %dma_start3A_377 = arith.constant 0 : i32
        %dma_start3A_378 = tpu.memref_slice %arg2[%dma_start3A_376, %dma_start3A_377] : memref<100000x64xf32, #tpu.memory_space<hbm>> -> memref<100000x64xf32, #tpu.memory_space<hbm>>
        tpu.enqueue_indirect_dma source(%dma_start3A_378 : memref<100000x64xf32, #tpu.memory_space<hbm>>) target(%dma_start3A_374 : memref<128x64xf32, #tpu.memory_space<vmem>>) offsets(%dma_start3A_375 : memref<128xi32, #tpu.memory_space<vmem>>) semaphore(%arg12 : memref<!tpu.dma_semaphore, #tpu.memory_space<semaphore_mem>>) {add = true}
        %mul3A_379 = arith.constant 200 : i32
        %mul3A_380 = arith.muli %add3A_366, %mul3A_379 : i32
        %add3A_381 = arith.constant 128 : i32
        %add3A_382 = arith.addi %mul3A_380, %add3A_381 : i32
        %dma_start3A_383 = arith.constant 3 : i32
        %dma_start3A_384 = arith.constant 128 : i32
        %dma_start3A_385 = arith.constant 0 : i32
        %dma_start3A_386 = tpu.memref_slice %arg8[%dma_start3A_383, %dma_start3A_384, %dma_start3A_385] : memref<4x200x64xf32, #tpu.memory_space<vmem>> -> memref<1x72x64xf32, #tpu.memory_space<vmem>>
        %dma_start3A_387 = tpu.memref_squeeze %dma_start3A_386 : memref<1x72x64xf32, #tpu.memory_space<vmem>> -> memref<72x64xf32, #tpu.memory_space<vmem>>
        %dma_start3A_388 = tpu.memref_slice %arg6[%add3A_382] : memref<25600xi32, #tpu.memory_space<vmem>> -> memref<72xi32, #tpu.memory_space<vmem>>
        %dma_start3A_389 = arith.constant 0 : i32
        %dma_start3A_390 = arith.constant 0 : i32
        %dma_start3A_391 = tpu.memref_slice %arg2[%dma_start3A_389, %dma_start3A_390] : memref<100000x64xf32, #tpu.memory_space<hbm>> -> memref<100000x64xf32, #tpu.memory_space<hbm>>
        tpu.enqueue_indirect_dma source(%dma_start3A_391 : memref<100000x64xf32, #tpu.memory_space<hbm>>) target(%dma_start3A_387 : memref<72x64xf32, #tpu.memory_space<vmem>>) offsets(%dma_start3A_388 : memref<72xi32, #tpu.memory_space<vmem>>) semaphore(%arg12 : memref<!tpu.dma_semaphore, #tpu.memory_space<semaphore_mem>>) {add = true}
      } else {
      }
    }
    %scan3A_93 = arith.constant 32 : i32
    %dma_wait3A = arith.constant 0 : i32
    %dma_wait3A_94 = arith.constant 0 : i32
    %dma_wait3A_95 = arith.constant 0 : i32
    %dma_wait3A_96 = arith.constant 0 : i32
    %dma_wait3A_97 = tpu.memref_slice %arg8[%dma_wait3A, %dma_wait3A_95, %dma_wait3A_96] : memref<4x200x64xf32, #tpu.memory_space<vmem>> -> memref<1x200x64xf32, #tpu.memory_space<vmem>>
    %dma_wait3A_98 = tpu.memref_squeeze %dma_wait3A_97 : memref<1x200x64xf32, #tpu.memory_space<vmem>> -> memref<200x64xf32, #tpu.memory_space<vmem>>
    %dma_wait3A_99 = arith.constant 0 : i32
    %dma_wait3A_100 = arith.constant 0 : i32
    %dma_wait3A_101 = tpu.memref_slice %arg5[%dma_wait3A_94, %dma_wait3A_99, %dma_wait3A_100] : memref<4096x200x64xf32, #tpu.memory_space<hbm>> -> memref<1x200x64xf32, #tpu.memory_space<hbm>>
    %dma_wait3A_102 = tpu.memref_squeeze %dma_wait3A_101 : memref<1x200x64xf32, #tpu.memory_space<hbm>> -> memref<200x64xf32, #tpu.memory_space<hbm>>
    %dma_wait3A_103 = arith.constant 0 : i32
    %dma_wait3A_104 = arith.constant 0 : i32
    %dma_wait3A_105 = tpu.memref_slice %arg5[%dma_wait3A_94, %dma_wait3A_103, %dma_wait3A_104] : memref<4096x200x64xf32, #tpu.memory_space<hbm>> -> memref<1x200x64xf32, #tpu.memory_space<hbm>>
    %dma_wait3A_106 = tpu.memref_squeeze %dma_wait3A_105 : memref<1x200x64xf32, #tpu.memory_space<hbm>> -> memref<200x64xf32, #tpu.memory_space<hbm>>
    %dma_wait3A_107 = arith.constant 0 : i32
    %dma_wait3A_108 = arith.constant 0 : i32
    %dma_wait3A_109 = tpu.memref_slice %arg8[%dma_wait3A, %dma_wait3A_107, %dma_wait3A_108] : memref<4x200x64xf32, #tpu.memory_space<vmem>> -> memref<1x200x64xf32, #tpu.memory_space<vmem>>
    %dma_wait3A_110 = tpu.memref_squeeze %dma_wait3A_109 : memref<1x200x64xf32, #tpu.memory_space<vmem>> -> memref<200x64xf32, #tpu.memory_space<vmem>>
    tpu.wait_dma2 semaphore(%arg13 : memref<!tpu.dma_semaphore, #tpu.memory_space<semaphore_mem>>) src(%dma_wait3A_110 : memref<200x64xf32, #tpu.memory_space<vmem>>) dst(%dma_wait3A_106 : memref<200x64xf32, #tpu.memory_space<hbm>>)
    %dma_wait3A_111 = arith.constant 1 : i32
    %dma_wait3A_112 = arith.constant 0 : i32
    %dma_wait3A_113 = arith.constant 0 : i32
    %dma_wait3A_114 = arith.constant 0 : i32
    %dma_wait3A_115 = tpu.memref_slice %arg8[%dma_wait3A_111, %dma_wait3A_113, %dma_wait3A_114] : memref<4x200x64xf32, #tpu.memory_space<vmem>> -> memref<1x200x64xf32, #tpu.memory_space<vmem>>
    %dma_wait3A_116 = tpu.memref_squeeze %dma_wait3A_115 : memref<1x200x64xf32, #tpu.memory_space<vmem>> -> memref<200x64xf32, #tpu.memory_space<vmem>>
    %dma_wait3A_117 = arith.constant 0 : i32
    %dma_wait3A_118 = arith.constant 0 : i32
    %dma_wait3A_119 = tpu.memref_slice %arg5[%dma_wait3A_112, %dma_wait3A_117, %dma_wait3A_118] : memref<4096x200x64xf32, #tpu.memory_space<hbm>> -> memref<1x200x64xf32, #tpu.memory_space<hbm>>
    %dma_wait3A_120 = tpu.memref_squeeze %dma_wait3A_119 : memref<1x200x64xf32, #tpu.memory_space<hbm>> -> memref<200x64xf32, #tpu.memory_space<hbm>>
    %dma_wait3A_121 = arith.constant 0 : i32
    %dma_wait3A_122 = arith.constant 0 : i32
    %dma_wait3A_123 = tpu.memref_slice %arg5[%dma_wait3A_112, %dma_wait3A_121, %dma_wait3A_122] : memref<4096x200x64xf32, #tpu.memory_space<hbm>> -> memref<1x200x64xf32, #tpu.memory_space<hbm>>
    %dma_wait3A_124 = tpu.memref_squeeze %dma_wait3A_123 : memref<1x200x64xf32, #tpu.memory_space<hbm>> -> memref<200x64xf32, #tpu.memory_space<hbm>>
    %dma_wait3A_125 = arith.constant 0 : i32
    %dma_wait3A_126 = arith.constant 0 : i32
    %dma_wait3A_127 = tpu.memref_slice %arg8[%dma_wait3A_111, %dma_wait3A_125, %dma_wait3A_126] : memref<4x200x64xf32, #tpu.memory_space<vmem>> -> memref<1x200x64xf32, #tpu.memory_space<vmem>>
    %dma_wait3A_128 = tpu.memref_squeeze %dma_wait3A_127 : memref<1x200x64xf32, #tpu.memory_space<vmem>> -> memref<200x64xf32, #tpu.memory_space<vmem>>
    tpu.wait_dma2 semaphore(%arg14 : memref<!tpu.dma_semaphore, #tpu.memory_space<semaphore_mem>>) src(%dma_wait3A_128 : memref<200x64xf32, #tpu.memory_space<vmem>>) dst(%dma_wait3A_124 : memref<200x64xf32, #tpu.memory_space<hbm>>)
    %dma_wait3A_129 = arith.constant 2 : i32
    %dma_wait3A_130 = arith.constant 0 : i32
    %dma_wait3A_131 = arith.constant 0 : i32
    %dma_wait3A_132 = arith.constant 0 : i32
    %dma_wait3A_133 = tpu.memref_slice %arg8[%dma_wait3A_129, %dma_wait3A_131, %dma_wait3A_132] : memref<4x200x64xf32, #tpu.memory_space<vmem>> -> memref<1x200x64xf32, #tpu.memory_space<vmem>>
    %dma_wait3A_134 = tpu.memref_squeeze %dma_wait3A_133 : memref<1x200x64xf32, #tpu.memory_space<vmem>> -> memref<200x64xf32, #tpu.memory_space<vmem>>
    %dma_wait3A_135 = arith.constant 0 : i32
    %dma_wait3A_136 = arith.constant 0 : i32
    %dma_wait3A_137 = tpu.memref_slice %arg5[%dma_wait3A_130, %dma_wait3A_135, %dma_wait3A_136] : memref<4096x200x64xf32, #tpu.memory_space<hbm>> -> memref<1x200x64xf32, #tpu.memory_space<hbm>>
    %dma_wait3A_138 = tpu.memref_squeeze %dma_wait3A_137 : memref<1x200x64xf32, #tpu.memory_space<hbm>> -> memref<200x64xf32, #tpu.memory_space<hbm>>
    %dma_wait3A_139 = arith.constant 0 : i32
    %dma_wait3A_140 = arith.constant 0 : i32
    %dma_wait3A_141 = tpu.memref_slice %arg5[%dma_wait3A_130, %dma_wait3A_139, %dma_wait3A_140] : memref<4096x200x64xf32, #tpu.memory_space<hbm>> -> memref<1x200x64xf32, #tpu.memory_space<hbm>>
    %dma_wait3A_142 = tpu.memref_squeeze %dma_wait3A_141 : memref<1x200x64xf32, #tpu.memory_space<hbm>> -> memref<200x64xf32, #tpu.memory_space<hbm>>
    %dma_wait3A_143 = arith.constant 0 : i32
    %dma_wait3A_144 = arith.constant 0 : i32
    %dma_wait3A_145 = tpu.memref_slice %arg8[%dma_wait3A_129, %dma_wait3A_143, %dma_wait3A_144] : memref<4x200x64xf32, #tpu.memory_space<vmem>> -> memref<1x200x64xf32, #tpu.memory_space<vmem>>
    %dma_wait3A_146 = tpu.memref_squeeze %dma_wait3A_145 : memref<1x200x64xf32, #tpu.memory_space<vmem>> -> memref<200x64xf32, #tpu.memory_space<vmem>>
    tpu.wait_dma2 semaphore(%arg15 : memref<!tpu.dma_semaphore, #tpu.memory_space<semaphore_mem>>) src(%dma_wait3A_146 : memref<200x64xf32, #tpu.memory_space<vmem>>) dst(%dma_wait3A_142 : memref<200x64xf32, #tpu.memory_space<hbm>>)
    %dma_wait3A_147 = arith.constant 3 : i32
    %dma_wait3A_148 = arith.constant 0 : i32
    %dma_wait3A_149 = arith.constant 0 : i32
    %dma_wait3A_150 = arith.constant 0 : i32
    %dma_wait3A_151 = tpu.memref_slice %arg8[%dma_wait3A_147, %dma_wait3A_149, %dma_wait3A_150] : memref<4x200x64xf32, #tpu.memory_space<vmem>> -> memref<1x200x64xf32, #tpu.memory_space<vmem>>
    %dma_wait3A_152 = tpu.memref_squeeze %dma_wait3A_151 : memref<1x200x64xf32, #tpu.memory_space<vmem>> -> memref<200x64xf32, #tpu.memory_space<vmem>>
    %dma_wait3A_153 = arith.constant 0 : i32
    %dma_wait3A_154 = arith.constant 0 : i32
    %dma_wait3A_155 = tpu.memref_slice %arg5[%dma_wait3A_148, %dma_wait3A_153, %dma_wait3A_154] : memref<4096x200x64xf32, #tpu.memory_space<hbm>> -> memref<1x200x64xf32, #tpu.memory_space<hbm>>
    %dma_wait3A_156 = tpu.memref_squeeze %dma_wait3A_155 : memref<1x200x64xf32, #tpu.memory_space<hbm>> -> memref<200x64xf32, #tpu.memory_space<hbm>>
    %dma_wait3A_157 = arith.constant 0 : i32
    %dma_wait3A_158 = arith.constant 0 : i32
    %dma_wait3A_159 = tpu.memref_slice %arg5[%dma_wait3A_148, %dma_wait3A_157, %dma_wait3A_158] : memref<4096x200x64xf32, #tpu.memory_space<hbm>> -> memref<1x200x64xf32, #tpu.memory_space<hbm>>
    %dma_wait3A_160 = tpu.memref_squeeze %dma_wait3A_159 : memref<1x200x64xf32, #tpu.memory_space<hbm>> -> memref<200x64xf32, #tpu.memory_space<hbm>>
    %dma_wait3A_161 = arith.constant 0 : i32
    %dma_wait3A_162 = arith.constant 0 : i32
    %dma_wait3A_163 = tpu.memref_slice %arg8[%dma_wait3A_147, %dma_wait3A_161, %dma_wait3A_162] : memref<4x200x64xf32, #tpu.memory_space<vmem>> -> memref<1x200x64xf32, #tpu.memory_space<vmem>>
    %dma_wait3A_164 = tpu.memref_squeeze %dma_wait3A_163 : memref<1x200x64xf32, #tpu.memory_space<vmem>> -> memref<200x64xf32, #tpu.memory_space<vmem>>
    tpu.wait_dma2 semaphore(%arg16 : memref<!tpu.dma_semaphore, #tpu.memory_space<semaphore_mem>>) src(%dma_wait3A_164 : memref<200x64xf32, #tpu.memory_space<vmem>>) dst(%dma_wait3A_160 : memref<200x64xf32, #tpu.memory_space<hbm>>)
    return
  }
}

</mosaic_0001>

<sc_bundles>
// kernel: kernel.3.cloned.1.call-start
scs
__scs_entry_jumppad:
0x0: {  	(pc) =	sbr.rel $0x88, $3  }
0x1: {  	(tag) =	ssettag $0x0;
	lr =	simm.s32 $0x1  }
0x2: {  	[smem:$0x3F9E] =	sst lr;
	_ =	strace $0xD0000000  }
0x3: {  	_ = 	snop  }
0x4: {  	_ = 	snop  }
0x5: {  	_ = 	snop  }
0x6: {  	_ = 	snop  }
0x7: {  	_ = 	snop  }
__scs_overlays_trampoline_lowered:
0x8: {  	[smem:$0x3FAD] =	sst s0  }
0x9: {  	[smem:$0x3FAE] =	sst s1  }
0xa: {  	[smem:$0x3FAF] =	sst s2  }
0xb: {  	[smem:$0x3FB0] =	sst s3  }
0xc: {  	[smem:$0x3FB1] =	sst s4  }
0xd: {  	[smem:$0x3FB2] =	sst s5  }
0xe: {  	[smem:$0x3FB3] =	sst s6  }
0xf: {  	[smem:$0x3FB4] =	sst s7  }
0x10: {  	[smem:$0x3FB5] =	sst s8  }
0x11: {  	[smem:$0x3FB6] =	sst s9;
	s0 =	simm.s32 @!p0 $0x0  }
0x12: {  	s1 =	sld [smem:$0x3F9C];
	s0 =	simm.s32 @p0 $0x1  }
0x13: {  	[smem:$0x3FB7] =	sst s0;
	s0 =	simm.s32 @!p1 $0x0  }
0x14: {  	s2 =	sld [smem:$0x3F9B];
	s0 =	simm.s32 @p1 $0x1  }
0x15: {  	[smem:$0x3FB8] =	sst s0;
	s0 =	simm.s32 @!p2 $0x0  }
0x16: {  	s3 =	sld [smem:$0x3FDB];
	s0 =	simm.s32 @p2 $0x1  }
0x17: {  	s4 =	simm.s32 $0x1BF5;
	[smem:$0x3FBA] =	sst s0  }
0x18: {  	s0 =	sld [smem:$0x3F9D];
	_ =	swait.ge [sflag:s4], $0x0  }
0x19: {  	s7 =	sld [smem:$0x3F9E]  }
0x1a: {  	s8 =	sadd.s32 $0xFFFFE003, lr  }
0x1b: {  	s9 =	sadd.s32 $0xFFFFFEF7, lr;
	s5 =	simm.s32 $0xFFFFFFFF;
	p2 =	slt.u32 s8, $0xFFFFF086  }
0x1c: {  	p1 =	slt.u32 s9, $0xF7A;
	s5 =	simm.s32 @!p2 $0x0  }
0x1d: {  	s5 =	simm.s32 @p1 $0x1;
	p0 =	seq.s32 s7, s2  }
0x1e: {  	s7 =	smul.u32 @!p0 $0xF7A, s2;
	p2 =	seq.s32 @!p0 s5, $0x0  }
0x1f: {  	s9 =	smul.u32 $0xF7A, s1;
	s8 =	simm.s32 @!p0 $0x1BF5;
	p2 =	por !p2, p0  }
0x20: {  	[sflag:s8] =	ssyncset.s32 @!p0 $0xFFFFF086;
	s6 =	sadd.s32 @!p0 s3, s7;
	s7 =	simm.s32 @!p0 $0x108  }
0x21: {  	s3 =	sadd.s32 s3, s9;
	s6 =	sadd.s32 @!p0 $0x88, s6;
	s7 =	simm.s32 @p2 $0x1082  }
0x22: {  	[simem:s7], [sflag:s8] =	dma.local @!p0 [hbm:s6], $0xF7A  }
0x23: {  	s9 =	sor.u32 $0xD0000000, s2;
	s6 =	simm.s32 $0x108;
	_ =	swait.ge @!p0 [sflag:s8], $0x0  }
0x24: {  	s3 =	sadd.s32 $0x88, s3;
	s6 =	simm.s32 @!p1 $0x1082;
	[sflag:s4] =	ssyncset.s32 $0xFFFFF086  }
0x25: {  	[simem:s6], [sflag:s4] =	dma.local [hbm:s3], $0xF7A  }
0x26: {  	[smem:$0x3F9E] =	sst s1;
	(tag) =	ssettag s2;
	_ =	strace s9  }
0x27: {  	s1 =	sld [smem:$0x3FAE]  }
0x28: {  	s2 =	sld [smem:$0x3FAF]  }
0x29: {  	s4 =	sld [smem:$0x3FB1]  }
0x2a: {  	p0 =	seq.s32 s5, $0x0;
	s5 =	sld [smem:$0x3FB2]  }
0x2b: {  	s6 =	sld [smem:$0x3FB3]  }
0x2c: {  	s7 =	sld [smem:$0x3FB4]  }
0x2d: {  	s3 =	simm.s32 $0x108;
	s8 =	sld [smem:$0x3FB5]  }
0x2e: {  	s3 =	simm.s32 @!p0 $0x1082;
	s9 =	sld [smem:$0x3FB6]  }
0x2f: {  	lr =	sadd.s32 s0, s3;
	s0 =	sld [smem:$0x3FAD]  }
0x30: {  	s3 =	sld [smem:$0x3FB0]  }
0x31: {  	[smem:$0x3FB9] =	sst s10  }
0x32: {  	s10 =	sld [smem:$0x3FB7];
	_ =	sdelay $0x3  }
0x33: {  	p0 =	seq.s32 s10, $0x1;
	s10 =	sld [smem:$0x3FB9];
	_ =	sdelay $0x3  }
0x34: {  	[smem:$0x3FB9] =	sst s10  }
0x35: {  	s10 =	sld [smem:$0x3FB8];
	_ =	sdelay $0x3  }
0x36: {  	p1 =	seq.s32 s10, $0x1;
	s10 =	sld [smem:$0x3FB9];
	_ =	sdelay $0x3  }
0x37: {  	[smem:$0x3FB9] =	sst s10  }
0x38: {  	s10 =	sld [smem:$0x3FBA]  }
0x39: {  	_ = 	snop;
	(pc) =	sbr.ind lr, $3  }
0x3a: {  	_ = 	snop  }
0x3b: {  	_ = 	snop  }
0x3c: {  	p2 =	seq.s32 s10, $0x1;
	s10 =	sld [smem:$0x3FB9]  }
0x3d: {  	_ =	shalt  }
0x3e: {  	_ =	shalt  }
0x3f: {  	_ =	shalt  }
0x40: {  	_ =	shalt  }
0x41: {  	_ =	shalt  }
0x42: {  	_ =	shalt  }
0x43: {  	_ =	shalt  }
0x44: {  	_ =	shalt  }
0x45: {  	_ =	shalt  }
0x46: {  	_ =	shalt  }
0x47: {  	_ =	shalt  }
0x48: {  	_ =	shalt  }
0x49: {  	_ =	shalt  }
0x4a: {  	_ =	shalt  }
0x4b: {  	_ =	shalt  }
0x4c: {  	_ =	shalt  }
0x4d: {  	_ =	shalt  }
0x4e: {  	_ =	shalt  }
0x4f: {  	_ =	shalt  }
0x50: {  	_ =	shalt  }
0x51: {  	_ =	shalt  }
0x52: {  	_ =	shalt  }
0x53: {  	_ =	shalt  }
0x54: {  	_ =	shalt  }
0x55: {  	_ =	shalt  }
0x56: {  	_ =	shalt  }
0x57: {  	_ =	shalt  }
0x58: {  	_ =	shalt  }
0x59: {  	_ =	shalt  }
0x5a: {  	_ =	shalt  }
0x5b: {  	_ =	shalt  }
0x5c: {  	_ =	shalt  }
0x5d: {  	_ =	shalt  }
0x5e: {  	_ =	shalt  }
0x5f: {  	_ =	shalt  }
0x60: {  	_ =	shalt  }
0x61: {  	_ =	shalt  }
0x62: {  	_ =	shalt  }
0x63: {  	_ =	shalt  }
0x64: {  	_ =	shalt  }
0x65: {  	_ =	shalt  }
0x66: {  	_ =	shalt  }
0x67: {  	_ =	shalt  }
0x68: {  	_ =	shalt  }
0x69: {  	_ =	shalt  }
0x6a: {  	_ =	shalt  }
0x6b: {  	_ =	shalt  }
0x6c: {  	_ =	shalt  }
0x6d: {  	_ =	shalt  }
0x6e: {  	_ =	shalt  }
0x6f: {  	_ =	shalt  }
0x70: {  	_ =	shalt  }
0x71: {  	_ =	shalt  }
0x72: {  	_ =	shalt  }
0x73: {  	_ =	shalt  }
0x74: {  	_ =	shalt  }
0x75: {  	_ =	shalt  }
0x76: {  	_ =	shalt  }
0x77: {  	_ =	shalt  }
0x78: {  	_ =	shalt  }
0x79: {  	_ =	shalt  }
0x7a: {  	_ =	shalt  }
0x7b: {  	_ =	shalt  }
0x7c: {  	_ =	shalt  }
0x7d: {  	_ =	shalt  }
0x7e: {  	_ =	shalt  }
0x7f: {  	_ =	shalt  }
0x80: {  	_ =	shalt  }
0x81: {  	_ =	shalt  }
0x82: {  	_ =	shalt  }
0x83: {  	_ =	shalt  }
0x84: {  	_ =	shalt  }
0x85: {  	_ =	shalt  }
0x86: {  	_ =	shalt  }
0x87: {  	_ =	shalt  }
.Lfunc_end0:
.L_simem_size_0:
called_computation.1_lowered:
.L_overlay_start_0:
0x88: {  	s2 =	sld [smem:$0x3FD9]  }
0x89: {  	s3 =	sld [smem:$0x3FFE];
	_ =	sdelay $0x1  }
0x8a: {  	s1 =	srdreg.scid  }
0x8b: {  	s0 =	sand.u32 $0x1, s1  }
0x8c: {  	s17 =	sshll.u32 s0, $0xA;
	s2 =	sadd.s32 s3, s2  }
0x8d: {  	s2 =	sadd.s32 s2, s17  }
0x8e: {  	[smem:$0x3FC5] =	sst s2  }
0x8f: {  	_ = 	snop  }
0x90: {  	s2 =	sld [smem:$0x3FD0];
	(tm) =	ssettm $0x1  }
0x91: {  	s18 =	sld [smem:$0x3FFB];
	_ =	sdelay $0x3  }
0x92: {  	_ =	strace s18  }
0x93: {  	s3 =	sld [smem:$0x3FFC];
	_ =	sdelay $0x3  }
0x94: {  	_ =	strace s3  }
0x95: {  	s3 =	sld [smem:$0x3FFD];
	_ =	sdelay $0x3  }
0x96: {  	_ =	strace s3  }
0x97: {  	_ =	strace $0x8FFFFFFF  }
0x98: {  	s19 =	sld [smem:$0x3FDB];
	_ =	sdelay $0x1  }
0x99: {  	s4 =	simm.s32 $_scs_section_size  }
0x9a: {  	s5 =	simm.s32 $_size__tile_overlayer_lowered;
	s6 =	simm.s32 $_tile_overlayer_lowered  }
0x9b: {  	s22 =	simm.s32 $0x1BFF;
	s21 =	sshll.u32 s6, $0x1;
	s3 =	sadd.s32 s4, s19  }
0x9c: {  	s7 =	simm.s32 $0x0;
	s20 =	sshll.u32 s5, $0x1;
	s5 =	sadd.s32 s21, s3  }
0x9d: {  	[timem:s7], [sflag:s22] =	dma.local [hbm:s5], s20  }
0x9e: {  	_ =	swait.ge [sflag:s22], s20  }
0x9f: {  	s4 =	ssub.s32 $0x0, s20;
	[sflag:s22] =	ssyncset.done $0x0  }
0xa0: {  	[sflag:s22] =	ssyncadd.s32 s4;
	_ =	sdelay $0x1  }
0xa1: {  	s23 =	simm.s32 $0x1B8B  }
0xa2: {  	_ =	swait.ge [sflag:s23], $0x1  }
0xa3: {  	[sflag:s23] =	ssyncset.done $0x0  }
0xa4: {  	s25 =	simm.s32 $0x1B8E;
	s24 =	sld [smem:$0x3FFE];
	[sflag:s23] =	ssyncadd.s32 $0xFFFFFFFF  }
0xa5: {  	s26 =	simm.s32 $execute0_lowered;
	[smem:$0x3FD2] =	sst s25  }
0xa6: {  	s5 =	sshll.u32 s26, $0x1;
	_ =	strace $0x80000046;
	[dreg:$0x1] =	wrdreg $0xFFFFFFFF  }
0xa7: {  	s28 =	simm.s32 $_size_execute0_lowered;
	s3 =	sadd.s32 s3, s5;
	[dreg:$0x0] =	wrdreg $0x0  }
0xa8: {  	s5 =	sshll.u32 s28, $0x1;
	[dreg:$0x2] =	wrdreg s3  }
0xa9: {  	[dreg:$0x3] =	wrdreg s5  }
0xaa: {  	[dreg:$0x4] =	wrdreg $0xC0  }
0xab: {  	_ =	task [dreg:s7], $0x5FFFF  }
0xac: {  	[dreg:$0x1] =	wrdreg $0xFFFFFFFF  }
0xad: {  	[dreg:$0x0] =	wrdreg $0x60  }
0xae: {  	[dreg:$0x2] =	wrdreg s24  }
0xaf: {  	[dreg:$0x3] =	wrdreg s2  }
0xb0: {  	[dreg:$0x4] =	wrdreg $0x64000  }
0xb1: {  	[dreg:$0x5] =	wrdreg $0x9  }
0xb2: {  	_ =	task.clear_ibuf [dreg:s7], $0x6FFFF;
	_ =	strace $0x90000046  }
0xb3: {  	s29 =	simm.s32 $0x9;
	_ =	strace $0x80000048  }
0xb4: {  	_ =	swait.ge [sflag:s29], $0x1  }
0xb5: {  	[sflag:s29] =	ssyncadd.s32 $0xFFFFFFFF  }
0xb6: {  	_ =	strace $0x90000048  }
0xb7: {  	_ =	sfence  }
0xb8: {  	s30 =	sld [smem:$0x0];
	_ =	sdelay $0x2  }
0xb9: {  	s31 =	sshll.u32 s1, $0xD;
	s1 =	sshrl.u32 s1, $0x2  }
0xba: {  	s3 =	sand.u32 $0x4000, s31;
	s1 =	sadd.s32 s1, s30  }
0xbb: {  	s0 =	sor.u32 s3, s0;
	s1 =	sshll.u32 s1, $0x11  }
0xbc: {  	s0 =	sor.u32 s1, s0  }
0xbd: {  	s0 =	sadd.s32 $0x8F2B, s0  }
0xbe: {  	[sflag:s0] =	ssyncadd.remote.s32 $0x1  }
0xbf: {  	_ =	sfence.sel $0xFFFF  }
0xc0: {  	[dreg:$0x0] =	wrdreg $0xFFFFFFFF;
	(pc) =	sbr.abs _section_cstart, $3  }
0xc1: {  	[dreg:$0x1] =	wrdreg $0xFFFFFFFF  }
0xc2: {  	_ =	task.clear_ibuf [dreg:s7], $0x2FFFF;
	_ =	strace $0x9FFFFFFF  }
0xc3: {  	(tm) =	ssettm $0x7FFFFFFF  }
tec
execute0_lowered:
.L_overlay_start_1:
0x0: {  	(tag) =	ssettag $0x1  }
0x1: {  	s0 =	rddreg [dreg:$0x0]  }
0x2: {  	s6 =	rddreg [dreg:$0x1]  }
0x3: {  	s2 =	srdreg.scid;
	s7 =	stileid.u32  }
0x4: {  	s1 =	rddreg [dreg:$0x2];
	s12 =	simm.s32 $0x48;
	s14 =	simm.s32 $0x9920  }
0x5: {  	s18 =	simm.s32 $0xCB20;
	s22 =	simm.s32 $0xFD20;
	s28 =	simm.s32 $0x2  }
0x6: {  	s29 =	simm.s32 $0x3;
	s30 =	simm.s32 $0x4;
	s31 =	simm.s32 $0x5  }
0x7: {  	s13 =	simm.s32 $0x7;
	s15 =	simm.s32 $0x8;
	s16 =	simm.s32 $0x0  }
0x8: {  	s5 =	sand.u32 $0x1, s2;
	s3 =	sshll.u32 s7, $0x1;
	s2 =	simm.s32 $0x0  }
0x9: {  	s10 =	smul.u32 $0x64000, s7;
	p0 =	sne.s32 s7, $0x0;
	s3 =	sor.u32 s5, s3  }
0xa: {  	[smem:$0x7FF] =	sst s2;
	s9 =	ssub.s32 $0x2, s5;
	s11 =	smul.u32 $0x32000, s5  }
0xb: {  	s4 =	smul.u32 $0xC80, s3;
	_ =	strace $0x80000047;
	s3 =	sadd.s32 $0x1A000, s0  }
0xc: {  	s25 =	sshrl.u32 s9, $0x1;
	s26 =	sadd.s32 s10, s6;
	s10 =	simm.s32 $0x6720  }
.Ltmp0:
0xd: {  	s17 =	sadd.s32 s11, s26;
	s11 =	simm.s32 $0x80;
	(pc) =	sbr.rel .LBB2_1-.Ltmp0, $4  }
0xe: {  	s26 =	simm.s32 $0x1;
	s8 =	sadd.s32 s4, s0;
	s0 =	sadd.s32 $0x800, s0  }
0xf: {  	[dreg:$0x4] =	wrdreg s0;
	s0 =	ssub.s32 s9, s25;
	s4 =	sadd.s32 $0x1000, s8  }
0x10: {  	s8 =	simm.s32 $0x9;
	s9 =	sshrl.u32 @!p0 s1, $0x3;
	s25 =	simm.s32 $0x11D20  }
0x11: {  	[dreg:$0x5] =	wrdreg s4;
	s6 =	smax.u32 s0, $0x1;
	s0 =	simm.s32 $0x6  }
.LBB2_4:
0x12: {  	_ =	swait.ge [sflag:s31], $0x3200  }
0x13: {  	[sflag:s31] =	ssyncset.done $0x0  }
0x14: {  	[sflag:s31] =	ssyncadd.s32 $0xFFFFCE00  }
0x15: {  	_ =	swait.ge [sflag:s0], $0x3200  }
0x16: {  	[sflag:s0] =	ssyncset.done $0x0  }
0x17: {  	s16 =	sadd.s32 $0x1, s16;
	[sflag:s0] =	ssyncadd.s32 $0xFFFFCE00  }
0x18: {  	p1 =	sne.s32 s16, s6;
	_ =	swait.ge [sflag:s13], $0x3200  }
.Ltmp1:
0x19: {  	[sflag:s13] =	ssyncset.done $0x0;
	(pc) =	sbr.rel @!p1 .LBB2_5-.Ltmp1, $4  }
0x1a: {  	[sflag:s13] =	ssyncadd.s32 $0xFFFFCE00  }
0x1b: {  	_ =	swait.ge [sflag:s15], $0x3200  }
0x1c: {  	[sflag:s15] =	ssyncset.done $0x0  }
0x1d: {  	[sflag:s15] =	ssyncadd.s32 $0xFFFFCE00  }
.LBB2_1:
0x1e: {  	s4 =	rddreg [dreg:$0x5]  }
0x1f: {  	[tilespmem:s2], [sflag:$0x9] =	stream.linear.gather [hbm4b:s4+s2], $0x6400, $0x38;
	[tilespmem:$0x12F20] =	vst v63  }
0x20: {  	_ =	swait.ge [sflag:s8], $0x6400  }
0x21: {  	[sflag:s8] =	ssyncset.done $0x0  }
0x22: {  	s7 =	simm.s32 @!p0 $0x1C09;
	s4 =	rddreg [dreg:$0x4];
	[sflag:s8] =	ssyncadd.s32 $0xFFFF9C00  }
0x23: {  	[spmem:s9], [sflag:s7] =	dma.local @!p0 [hbm:s4], $0x640  }
0x24: {  	s7 =	simm.s32 @!p0 $0x9  }
0x25: {  	_ =	swait.ge @!p0 [sflag:s7], $0x640  }
0x26: {  	[sflag:s7] =	ssyncset.done @!p0 $0x0  }
0x27: {  	[sflag:s7] =	ssyncadd.s32 @!p0 $0xFFFFF9C0  }
0x28: {  	[bflag:$0x0] =	sbarrier.arrive $0xFFFF  }
0x29: {  	[tilespmem:s10], [sflag:$0x9] =	stream.linear.gather [spmem:s1], $0x3200, $0x38;
	[tilespmem:$0x12F20] =	vst v63  }
0x2a: {  	_ =	swait.ge [sflag:s8], $0x3200  }
0x2b: {  	[sflag:s8] =	ssyncset.done $0x0  }
0x2c: {  	[sflag:s8] =	ssyncadd.s32 $0xFFFFCE00  }
0x2d: {  	[tilespmem:s10], [sflag:$0x1] =	stream.indirect.gather.add.f32 [hbm:s3], $0x40, s2, s11, $0xb8;
	[tilespmem:$0x12F20] =	vst v63  }
0x2e: {  	s24 =	simm.s32 $0x8720  }
0x2f: {  	[tilespmem:s24], [sflag:$0x1] =	stream.indirect.gather.add.f32 [hbm:s3], $0x40, s11, s12, $0xb8;
	[tilespmem:$0x12F20] =	vst v63  }
0x30: {  	_ = 	snop  }
0x31: {  	[tilespmem:s14], [sflag:$0x9] =	stream.linear.gather [spmem:s1], $0x3200, $0x38;
	[tilespmem:$0x12F20] =	vst v63  }
0x32: {  	_ =	swait.ge [sflag:s8], $0x3200  }
0x33: {  	[sflag:s8] =	ssyncset.done $0x0  }
0x34: {  	s5 =	simm.s32 $0xC8;
	[sflag:s8] =	ssyncadd.s32 $0xFFFFCE00  }
0x35: {  	[tilespmem:s14], [sflag:$0x2] =	stream.indirect.gather.add.f32 [hbm:s3], $0x40, s5, s11, $0xb8;
	[tilespmem:$0x12F20] =	vst v63  }
0x36: {  	s7 =	simm.s32 $0x148;
	s5 =	simm.s32 $0xB920  }
0x37: {  	[tilespmem:s5], [sflag:$0x2] =	stream.indirect.gather.add.f32 [hbm:s3], $0x40, s7, s12, $0xb8;
	[tilespmem:$0x12F20] =	vst v63  }
0x38: {  	_ = 	snop  }
0x39: {  	[tilespmem:s18], [sflag:$0x9] =	stream.linear.gather [spmem:s1], $0x3200, $0x38;
	[tilespmem:$0x12F20] =	vst v63  }
0x3a: {  	_ =	swait.ge [sflag:s8], $0x3200  }
0x3b: {  	[sflag:s8] =	ssyncset.done $0x0  }
0x3c: {  	s19 =	simm.s32 $0x190;
	[sflag:s8] =	ssyncadd.s32 $0xFFFFCE00  }
0x3d: {  	[tilespmem:s18], [sflag:$0x3] =	stream.indirect.gather.add.f32 [hbm:s3], $0x40, s19, s11, $0xb8;
	[tilespmem:$0x12F20] =	vst v63  }
0x3e: {  	s20 =	simm.s32 $0x210;
	s21 =	simm.s32 $0xEB20  }
0x3f: {  	[tilespmem:s21], [sflag:$0x3] =	stream.indirect.gather.add.f32 [hbm:s3], $0x40, s20, s12, $0xb8;
	[tilespmem:$0x12F20] =	vst v63  }
0x40: {  	_ = 	snop  }
0x41: {  	[tilespmem:s22], [sflag:$0x9] =	stream.linear.gather [spmem:s1], $0x3200, $0x38;
	[tilespmem:$0x12F20] =	vst v63  }
0x42: {  	_ =	swait.ge [sflag:s8], $0x3200  }
0x43: {  	[sflag:s8] =	ssyncset.done $0x0  }
0x44: {  	s23 =	simm.s32 $0x258;
	[sflag:s8] =	ssyncadd.s32 $0xFFFFCE00  }
0x45: {  	[tilespmem:s22], [sflag:$0x4] =	stream.indirect.gather.add.f32 [hbm:s3], $0x40, s23, s11, $0xb8;
	[tilespmem:$0x12F20] =	vst v63  }
0x46: {  	s24 =	simm.s32 $0x2D8;
	s7 =	smov.u32 s17;
	s19 =	simm.s32 $0x0  }
0x47: {  	[tilespmem:s25], [sflag:$0x4] =	stream.indirect.gather.add.f32 [hbm:s3], $0x40, s24, s12, $0xb8;
	[tilespmem:$0x12F20] =	vst v63  }
.LBB2_2:
0x48: {  	_ =	swait.ge [sflag:s26], $0x3200  }
0x49: {  	p1 =	seq.s32 s19, $0x18380;
	[sflag:s26] =	ssyncset.done $0x0  }
0x4a: {  	s20 =	simm.s32 @!p1 $0x5;
	[sflag:s26] =	ssyncadd.s32 $0xFFFFCE00  }
0x4b: {  	[hbm4b:s7+s2] =	stream.linear.scatter [tilespmem:s10], [sflag:$0x5], $0x3200, $0x38;
	[tilespmem:$0x12F20] =	vst v63  }
0x4c: {  	_ =	swait.ge @!p1 [sflag:s20], $0x3200  }
0x4d: {  	[sflag:s20] =	ssyncset.done @!p1 $0x0  }
0x4e: {  	s21 =	simm.s32 @!p1 $0x9;
	[sflag:s20] =	ssyncadd.s32 @!p1 $0xFFFFCE00;
	s20 =	simm.s32 @!p1 $0x6720  }
0x4f: {  	[tilespmem:s20], [sflag:$0x9] =	stream.linear.gather @!p1 [spmem:s1], $0x3200, $0x38;
	[tilespmem:$0x12F20] =	vst v63  }
0x50: {  	_ =	swait.ge @!p1 [sflag:s21], $0x3200  }
0x51: {  	s23 =	sshra.s32 @!p1 s19, $0x2;
	[sflag:s21] =	ssyncset.done @!p1 $0x0  }
0x52: {  	s4 =	simm.s32 @!p1 $0x80;
	s24 =	sadd.s32 @!p1 $0x320, s23;
	[sflag:s21] =	ssyncadd.s32 @!p1 $0xFFFFCE00  }
0x53: {  	[tilespmem:s20], [sflag:$0x1] =	stream.indirect.gather.add.f32 @!p1 [hbm:s3], $0x40, s24, s4, $0xb8;
	[tilespmem:$0x12F20] =	vst v63  }
0x54: {  	s5 =	simm.s32 @!p1 $0x8720;
	s20 =	sadd.s32 @!p1 $0x3A0, s23;
	s24 =	simm.s32 @!p1 $0x48  }
0x55: {  	[tilespmem:s5], [sflag:$0x1] =	stream.indirect.gather.add.f32 @!p1 [hbm:s3], $0x40, s20, s24, $0xb8;
	[tilespmem:$0x12F20] =	vst v63  }
0x56: {  	_ =	swait.ge [sflag:s28], $0x3200  }
0x57: {  	[sflag:s28] =	ssyncset.done $0x0  }
0x58: {  	s20 =	sadd.s32 $0x640, s7;
	s5 =	simm.s32 @!p1 $0x6;
	[sflag:s28] =	ssyncadd.s32 $0xFFFFCE00  }
0x59: {  	[hbm4b:s20+s2] =	stream.linear.scatter [tilespmem:s14], [sflag:$0x6], $0x3200, $0x38;
	[tilespmem:$0x12F20] =	vst v63  }
0x5a: {  	_ =	swait.ge @!p1 [sflag:s5], $0x3200  }
0x5b: {  	[sflag:s5] =	ssyncset.done @!p1 $0x0  }
0x5c: {  	[sflag:s5] =	ssyncadd.s32 @!p1 $0xFFFFCE00;
	s5 =	simm.s32 @!p1 $0x9920  }
0x5d: {  	[tilespmem:s5], [sflag:$0x9] =	stream.linear.gather @!p1 [spmem:s1], $0x3200, $0x38;
	[tilespmem:$0x12F20] =	vst v63  }
0x5e: {  	_ =	swait.ge @!p1 [sflag:s21], $0x3200  }
0x5f: {  	[sflag:s21] =	ssyncset.done @!p1 $0x0  }
0x60: {  	s20 =	sadd.s32 @!p1 $0x3E8, s23;
	[sflag:s21] =	ssyncadd.s32 @!p1 $0xFFFFCE00  }
0x61: {  	[tilespmem:s5], [sflag:$0x2] =	stream.indirect.gather.add.f32 @!p1 [hbm:s3], $0x40, s20, s4, $0xb8;
	[tilespmem:$0x12F20] =	vst v63  }
0x62: {  	s5 =	sadd.s32 @!p1 $0x468, s23;
	s20 =	simm.s32 @!p1 $0xB920  }
0x63: {  	[tilespmem:s20], [sflag:$0x2] =	stream.indirect.gather.add.f32 @!p1 [hbm:s3], $0x40, s5, s24, $0xb8;
	[tilespmem:$0x12F20] =	vst v63  }
0x64: {  	_ =	swait.ge [sflag:s29], $0x3200  }
0x65: {  	[sflag:s29] =	ssyncset.done $0x0  }
0x66: {  	s20 =	sadd.s32 $0xC80, s7;
	s5 =	simm.s32 @!p1 $0x7;
	[sflag:s29] =	ssyncadd.s32 $0xFFFFCE00  }
0x67: {  	[hbm4b:s20+s2] =	stream.linear.scatter [tilespmem:s18], [sflag:$0x7], $0x3200, $0x38;
	[tilespmem:$0x12F20] =	vst v63  }
0x68: {  	_ =	swait.ge @!p1 [sflag:s5], $0x3200  }
0x69: {  	[sflag:s5] =	ssyncset.done @!p1 $0x0  }
0x6a: {  	[sflag:s5] =	ssyncadd.s32 @!p1 $0xFFFFCE00;
	s5 =	simm.s32 @!p1 $0xCB20  }
0x6b: {  	[tilespmem:s5], [sflag:$0x9] =	stream.linear.gather @!p1 [spmem:s1], $0x3200, $0x38;
	[tilespmem:$0x12F20] =	vst v63  }
0x6c: {  	_ =	swait.ge @!p1 [sflag:s21], $0x3200  }
0x6d: {  	[sflag:s21] =	ssyncset.done @!p1 $0x0  }
0x6e: {  	s20 =	sadd.s32 @!p1 $0x4B0, s23;
	[sflag:s21] =	ssyncadd.s32 @!p1 $0xFFFFCE00  }
0x6f: {  	[tilespmem:s5], [sflag:$0x3] =	stream.indirect.gather.add.f32 @!p1 [hbm:s3], $0x40, s20, s4, $0xb8;
	[tilespmem:$0x12F20] =	vst v63  }
0x70: {  	s4 =	sadd.s32 @!p1 $0x530, s23;
	s5 =	simm.s32 @!p1 $0xEB20  }
0x71: {  	[tilespmem:s5], [sflag:$0x3] =	stream.indirect.gather.add.f32 @!p1 [hbm:s3], $0x40, s4, s24, $0xb8;
	[tilespmem:$0x12F20] =	vst v63  }
.Ltmp2:
0x72: {  	_ = 	snop;
	(pc) =	sbr.rel @p1 .LBB2_4-.Ltmp2, $4  }
0x73: {  	_ =	swait.ge [sflag:s30], $0x3200  }
0x74: {  	[sflag:s30] =	ssyncset.done $0x0  }
0x75: {  	s24 =	sadd.s32 $0x12C0, s7;
	[sflag:s30] =	ssyncadd.s32 $0xFFFFCE00  }
0x76: {  	[hbm4b:s24+s2] =	stream.linear.scatter [tilespmem:s22], [sflag:$0x8], $0x3200, $0x38;
	[tilespmem:$0x12F20] =	vst v63  }
0x77: {  	_ =	swait.ge [sflag:s15], $0x3200  }
0x78: {  	[sflag:s15] =	ssyncset.done $0x0  }
0x79: {  	[sflag:s15] =	ssyncadd.s32 $0xFFFFCE00  }
0x7a: {  	[tilespmem:s22], [sflag:$0x9] =	stream.linear.gather [spmem:s1], $0x3200, $0x38;
	[tilespmem:$0x12F20] =	vst v63  }
0x7b: {  	_ =	swait.ge [sflag:s8], $0x3200  }
.Ltmp3:
0x7c: {  	s4 =	sshra.s32 s19, $0x2;
	[sflag:s8] =	ssyncset.done $0x0;
	(pc) =	sbr.rel .LBB2_2-.Ltmp3, $4  }
0x7d: {  	s5 =	sadd.s32 $0x578, s4;
	[sflag:s8] =	ssyncadd.s32 $0xFFFFCE00  }
0x7e: {  	[tilespmem:s22], [sflag:$0x4] =	stream.indirect.gather.add.f32 [hbm:s3], $0x40, s5, s11, $0xb8;
	[tilespmem:$0x12F20] =	vst v63  }
0x7f: {  	s19 =	sadd.s32 $0xC80, s19;
	s7 =	sadd.s32 $0x1900, s7;
	s4 =	sadd.s32 $0x5F8, s4  }
0x80: {  	[tilespmem:s25], [sflag:$0x4] =	stream.indirect.gather.add.f32 [hbm:s3], $0x40, s4, s12, $0xb8;
	[tilespmem:$0x12F20] =	vst v63  }
.LBB2_5:
0x81: {  	_ =	sfence.sel $0x180000  }
0x82: {  	[bflag:$0x0] =	sbarrier.arrive $0xFFFF  }
0x83: {  	_ =	strace $0x90000047  }
0x84: {  	[bflag:$0x2] =	sbarrier.arrive $0xFFFF  }
0x85: {  	s0 =	rddreg [dreg:$0x3]  }
0x86: {  	s0 =	sadd.s32 @!p0 $0x100000, s0  }
0x87: {  	[sflag:s0] =	ssyncadd.tile.s32 @!p0 $0x1;
	_ =	shalt  }
.Lfunc_end2:
_tile_overlayer_lowered:
.L_overlay_start_2:
0x88: {  	(tag) =	ssettag $0x2  }
0x89: {  	s0 =	rddreg [dreg:$0x0];
	s2 =	stileid.u32  }
0x8a: {  	s1 =	rddreg [dreg:$0x1];
	p0 =	sne.s32 s2, $0x0  }
0x8b: {  	s3 =	rddreg [dreg:$0x2];
	[bflag:$0x3] =	sbarrier.arrive $0xFFFF;
	s2 =	simm.s32 @!p0 $0x1C09  }
0x8c: {  	[timem:s3], [sflag:s2] =	dma.local @!p0 [hbm:s0], s1  }
0x8d: {  	s0 =	simm.s32 @!p0 $0x9  }
0x8e: {  	_ =	swait.ge @!p0 [sflag:s0], s1  }
0x8f: {  	s1 =	ssub.s32 @!p0 $0x0, s1;
	[sflag:s0] =	ssyncset.done @!p0 $0x0  }
0x90: {  	[sflag:s0] =	ssyncadd.s32 @!p0 s1  }
0x91: {  	[bflag:$0x3] =	sbarrier.arrive $0xFFFF  }
0x92: {  	_ =	shalt  }

// kernel: sparse-core-data-format-call.cloned.1.call-start
scs
called_computation_lowered:
.L_overlay_start_0:
0x0: {  	s2 =	sld [smem:$0x3FD9]  }
0x1: {  	s3 =	sld [smem:$0x3FFE];
	_ =	sdelay $0x1  }
0x2: {  	s1 =	srdreg.scid  }
0x3: {  	s0 =	sand.u32 $0x1, s1  }
0x4: {  	s18 =	sshll.u32 s0, $0xA;
	s2 =	sadd.s32 s3, s2  }
0x5: {  	s2 =	sadd.s32 s2, s18  }
0x6: {  	[smem:$0x3FC5] =	sst s2  }
0x7: {  	_ = 	snop  }
0x8: {  	s2 =	sld [smem:$0x3FD0];
	(tm) =	ssettm $0x1  }
0x9: {  	s19 =	sld [smem:$0x3FFB];
	_ =	sdelay $0x3  }
0xa: {  	_ =	strace s19  }
0xb: {  	s3 =	sld [smem:$0x3FFC];
	_ =	sdelay $0x3  }
0xc: {  	_ =	strace s3  }
0xd: {  	s3 =	sld [smem:$0x3FFD];
	_ =	sdelay $0x3  }
0xe: {  	_ =	strace s3  }
0xf: {  	_ =	strace $0x8FFFFFFF  }
0x10: {  	s20 =	sld [smem:$0x3FDB];
	_ =	sdelay $0x1  }
0x11: {  	s4 =	simm.s32 $_scs_section_size  }
0x12: {  	s5 =	simm.s32 $_size__tile_overlayer_lowered;
	s6 =	simm.s32 $_tile_overlayer_lowered  }
0x13: {  	s23 =	simm.s32 $0x1BFF;
	s22 =	sshll.u32 s6, $0x1;
	s3 =	sadd.s32 s4, s20  }
0x14: {  	s7 =	simm.s32 $0x0;
	s21 =	sshll.u32 s5, $0x1;
	s5 =	sadd.s32 s22, s3  }
0x15: {  	[timem:s7], [sflag:s23] =	dma.local [hbm:s5], s21  }
0x16: {  	_ =	swait.ge [sflag:s23], s21  }
0x17: {  	s4 =	ssub.s32 $0x0, s21;
	[sflag:s23] =	ssyncset.done $0x0  }
0x18: {  	[sflag:s23] =	ssyncadd.s32 s4;
	_ =	sdelay $0x1  }
0x19: {  	s24 =	simm.s32 $0x1B8B  }
0x1a: {  	_ =	swait.ge [sflag:s24], $0x1  }
0x1b: {  	[sflag:s24] =	ssyncset.done $0x0  }
0x1c: {  	s26 =	simm.s32 $0x1B8E;
	s25 =	sld [smem:$0x3FFE];
	[sflag:s24] =	ssyncadd.s32 $0xFFFFFFFF  }
0x1d: {  	s27 =	simm.s32 $execute0_lowered;
	[smem:$0x3FD2] =	sst s26  }
0x1e: {  	s5 =	sshll.u32 s27, $0x1;
	_ =	strace $0x80000049;
	[dreg:$0x1] =	wrdreg $0xFFFFFFFF  }
0x1f: {  	s28 =	simm.s32 $_size_execute0_lowered;
	s3 =	sadd.s32 s3, s5;
	[dreg:$0x0] =	wrdreg $0x0  }
0x20: {  	s5 =	sshll.u32 s28, $0x1;
	[dreg:$0x2] =	wrdreg s3  }
0x21: {  	[dreg:$0x3] =	wrdreg s5  }
0x22: {  	[dreg:$0x4] =	wrdreg $0xC0  }
0x23: {  	_ =	task [dreg:s7], $0x5FFFF  }
0x24: {  	[dreg:$0x1] =	wrdreg $0xFFFFFFFF  }
0x25: {  	[dreg:$0x0] =	wrdreg $0x60  }
0x26: {  	[dreg:$0x2] =	wrdreg s25  }
0x27: {  	[dreg:$0x3] =	wrdreg s2  }
0x28: {  	[dreg:$0x4] =	wrdreg $0x9  }
0x29: {  	_ =	task.clear_ibuf [dreg:s7], $0x5FFFF;
	_ =	strace $0x90000049  }
0x2a: {  	s29 =	simm.s32 $0x9;
	_ =	strace $0x8000004B  }
0x2b: {  	_ =	swait.ge [sflag:s29], $0x1  }
0x2c: {  	[sflag:s29] =	ssyncadd.s32 $0xFFFFFFFF  }
0x2d: {  	_ =	strace $0x9000004B  }
0x2e: {  	_ =	sfence  }
0x2f: {  	s30 =	sld [smem:$0x0];
	_ =	sdelay $0x2  }
0x30: {  	s31 =	sshll.u32 s1, $0xD;
	s1 =	sshrl.u32 s1, $0x2  }
0x31: {  	s3 =	sand.u32 $0x4000, s31;
	s1 =	sadd.s32 s1, s30  }
0x32: {  	s0 =	sor.u32 s3, s0;
	s1 =	sshll.u32 s1, $0x11  }
0x33: {  	s0 =	sor.u32 s1, s0  }
0x34: {  	s0 =	sadd.s32 $0x8F2B, s0  }
0x35: {  	[sflag:s0] =	ssyncadd.remote.s32 $0x1  }
0x36: {  	_ =	sfence.sel $0xFFFF  }
0x37: {  	[dreg:$0x0] =	wrdreg $0xFFFFFFFF;
	(pc) =	sbr.abs _section_cstart, $3  }
0x38: {  	[dreg:$0x1] =	wrdreg $0xFFFFFFFF  }
0x39: {  	_ =	task.clear_ibuf [dreg:s7], $0x2FFFF;
	_ =	strace $0x9FFFFFFF  }
0x3a: {  	(tm) =	ssettm $0x7FFFFFFF  }
0x3b: {  	_ =	shalt  }
tec
execute0_lowered:
.L_overlay_start_1:
0x0: {  	(tag) =	ssettag $0x1  }
0x1: {  	s0 =	srdreg.scid  }
0x2: {  	s1 =	sshll.u32 s0, $0x4  }
0x3: {  	s0 =	stileid.u32;
	s1 =	sand.u32 $0x10, s1  }
0x4: {  	s1 =	sor.u32 s0, s1  }
0x5: {  	s6 =	rddreg [dreg:$0x0];
	s4 =	simm.s32 $0x1;
	s2 =	sshll.u32 s1, $0x7  }
0x6: {  	s7 =	simm.s32 $0x2;
	s12 =	simm.s32 $0x0;
	s1 =	ssub.s32 $0x1000, s2  }
0x7: {  	s8 =	simm.s32 $0x8000;
	s13 =	simm.s32 $0x0;
	s3 =	sand.u32 $0xF80, s1  }
0x8: {  	s9 =	simm.s32 $0x0;
	s5 =	sshrl.u32 s1, $0xC;
	p0 =	sne.s32 s3, $0x0  }
.Ltmp0:
0x9: {  	s1 =	rddreg [dreg:$0x2];
	s4 =	simm.s32 @!p0 $0x0;
	(pc) =	sbr.rel .LBB1_1-.Ltmp0, $4  }
0xa: {  	s11 =	simm.s32 $0x0;
	s3 =	rddreg [dreg:$0x1];
	s5 =	sadd.s32 s4, s5  }
0xb: {  	_ =	strace $0x8000004A;
	s4 =	simm.s32 $0x1;
	s5 =	smul.u32 $0xC8, s5  }
0xc: {  	s6 =	sadd.s32 $0x800, s6;
	s10 =	smov.u32 s2;
	[sflag:s4] =	ssyncpa.u1 $0x0  }
0xd: {  	p0 =	por $0x0, $0x0;
	[sflag:s7] =	ssyncpa.u1 $0x0;
	s7 =	sor.u32 $0x1, s5  }
.LBB1_4:
0xe: {  	s16 =	sshll.u32 s13, $0x3;
	s17 =	sand.u32 $0x78, s13  }
0xf: {  	s30 =	sand.u32 $0x7E00, s13;
	s12 =	sshll.u32 s12, $0xF;
	s16 =	sand.u32 $0xC00, s16  }
0x10: {  	[tilespmem:s15+$0x810 ss:$0x81] =	vst.msk $0xffff, v2;
	s31 =	sand.u32 $0x7, s13;
	s16 =	sor.u32 s17, s16;
	s17 =	sadd.s32 s3, s30  }
0x11: {  	[tilespmem:s15+$0x1020 ss:$0x81] =	vst.msk $0xffff, v0;
	s13 =	sshll.u32 s31, $0x12;
	s12 =	sadd.s32 s12, s17;
	s16 =	sshrl.u32 s16, $0x3  }
0x12: {  	[tilespmem:s15+$0x0 ss:$0x81] =	vst.msk $0xffff, v1;
	s13 =	sor.u32 $0x400, s13;
	s12 =	sadd.s32 s16, s12  }
0x13: {  	[hbm4b:s12+s13] =	stream.strided.scatter [tilespmem:s14], [sflag:$0x2], $0x2000, s8, s13, $0x20;
	[tilespmem:$0x8080] =	vst v63  }
.LBB1_5:
0x14: {  	s14 =	sadd.s32 $0x1, s9  }
0x15: {  	s12 =	sadd.s32 $0x1000, s10;
	s16 =	smov.u32 s10;
	p2 =	sgt.s32 s14, $0xC7  }
0x16: {  	s16 =	smov.u32 @p2 s12  }
0x17: {  	s14 =	simm.s32 @p2 $0x0;
	p2 =	sgt.s32 s16, $0xFFF  }
0x18: {  	s16 =	smov.u32 @p2 s2;
	p2 =	sne.s32 s11, s7  }
.Ltmp1:
0x19: {  	p1 =	slt.u32 s11, $0x2;
	(pc) =	sbr.rel @!p2 .LBB1_6-.Ltmp1, $4  }
0x1a: {  	s15 =	simm.s32 @!p1 $0x2  }
0x1b: {  	s13 =	smov.u32 s10;
	p0 =	por !p0, !p0;
	_ =	swait.ge @!p1 [sflag:s15], $0x2000  }
0x1c: {  	s12 =	smov.u32 s9;
	[sflag:s15] =	ssyncset.done @!p1 $0x0;
	s9 =	smov.u32 s14  }
0x1d: {  	s11 =	sadd.s32 $0x1, s11;
	[sflag:s15] =	ssyncadd.s32 @!p1 $0xFFFFE000;
	s10 =	smov.u32 s16  }
.LBB1_1:
0x1e: {  	p1 =	sge.u32 s11, s5  }
0x1f: {  	s14 =	sand.u32 @!p1 $0x1FFFFFF, s9  }
0x20: {  	s15 =	smulhi.u32 @!p1 $0x147AE15, s14;
	_ =	sdelay $0x1  }
0x21: {  	s15 =	smul.u32 @!p1 $0xC8, s15  }
0x22: {  	s16 =	sxor.u32 @!p1 $0xFFFFFFFF, s11;
	s17 =	smul.u32 @!p1 $0xC80, s10  }
0x23: {  	s31 =	sadd.s32 $0xFFFFFFFF, s11;
	s16 =	sshll.u32 @!p1 s16, $0xD;
	s14 =	ssub.s32 @!p1 s14, s15  }
0x24: {  	s15 =	sand.u32 @!p1 $0x2000, s16;
	s16 =	sadd.s32 @!p1 s6, s17;
	s14 =	sshll.u32 @!p1 s14, $0x4  }
0x25: {  	s17 =	simm.s32 @!p1 $0x6400;
	s14 =	sadd.s32 @!p1 s14, s16;
	s16 =	simm.s32 @!p1 $0x40  }
0x26: {  	[tilespmem:s15], [sflag:$0x1] =	stream.strided.gather @!p1 [hbm4b:s14+s16], $0x2000, s17, s16, $0x38;
	[tilespmem:$0x8080] =	vst v63  }
0x27: {  	p1 =	sge.u32 s31, s5  }
.Ltmp2:
0x28: {  	_ = 	snop;
	(pc) =	sbr.rel @p1 .LBB1_5-.Ltmp2, $1  }
0x29: {  	_ =	sdelay $0x3  }
0x2a: {  	s14 =	simm.s32 $0x1  }
0x2b: {  	_ =	swait.ge [sflag:s4], $0x2000;
	s14 =	simm.s32 @!p0 $0x0  }
0x2c: {  	[sflag:s4] =	ssyncset.done $0x0;
	s15 =	sshll.u32 s14, $0xD  }
0x2d: {  	[sflag:s4] =	ssyncadd.s32 $0xFFFFE000;
	s18 =	sor.u32 $0x20, s15  }
0x2e: {  	s14 =	smul.u32 $0x8100, s14;
	v3 =	vld [tilespmem:s18+$0x10]  }
0x2f: {  	s30 =	sand.u32 $0x1, s11;
	v2 =	vld [tilespmem:s18+$0xFFFFFFF0]  }
0x30: {  	s15 =	smul.u32 $0x8100, s30;
	s14 =	sshrl.u32 s14, $0x2;
	v0 =	vld [tilespmem:s18+$0x0]  }
0x31: {  	v1 =	vld [tilespmem:s18+$0xFFFFFFE0];
	s16 =	sor.u32 $0x4000, s14  }
0x32: {  	s31 =	sshrl.u32 s15, $0x2;
	s15 =	sadd.s32 $0x0, s16  }
0x33: {  	s17 =	simm.s32 $0x4;
	s18 =	sadd.s32 $0x40, s18;
	s14 =	sor.u32 $0x4000, s31;
	[tilespmem:s15+$0x1830 ss:$0x81] =	vst.msk $0xffff, v3  }
.LBB1_3:
0x34: {  	v3 =	vld [tilespmem:s18+$0x10];
	p1 =	sne.s32 s17, $0x1FC;
	[tilespmem:s15+$0x810 ss:$0x81] =	vst.msk $0xffff, v2;
	s19 =	smov.u32 s17;
	s17 =	sadd.s32 $0x4, s17  }
.Ltmp3:
0x35: {  	v2 =	vld [tilespmem:s18+$0xFFFFFFF0];
	[tilespmem:s15+$0x1020 ss:$0x81] =	vst.msk $0xffff, v0;
	(pc) =	sbr.rel @p1 .LBB1_3-.Ltmp3, $4  }
0x36: {  	v0 =	vld [tilespmem:s18+$0x0];
	[tilespmem:s15+$0x0 ss:$0x81] =	vst.msk $0xffff, v1  }
0x37: {  	s15 =	sshra.s32 s19, $0x2;
	v1 =	vld [tilespmem:s18+$0xFFFFFFE0]  }
0x38: {  	s15 =	sadd.s32 s15, s16  }
0x39: {  	s18 =	sadd.s32 $0x40, s18;
	[tilespmem:s15+$0x1830 ss:$0x81] =	vst.msk $0xffff, v3  }
.Ltmp4:
0x3a: {  	_ = 	snop;
	(pc) =	sbr.rel .LBB1_4-.Ltmp4, $1  }
0x3b: {  	_ =	sdelay $0x3  }
.LBB1_6:
0x3c: {  	_ =	sfence.sel $0x180000  }
0x3d: {  	s2 =	simm.s32 $0x1;
	[bflag:$0x0] =	sbarrier.arrive $0xFFFF  }
0x3e: {  	s31 =	simm.s32 $0x2;
	[sflag:s2] =	ssyncpa.u1 $0x1  }
0x3f: {  	[sflag:s31] =	ssyncpa.u1 $0x1  }
0x40: {  	p0 =	sne.s32 s0, $0x0;
	_ =	strace $0x9000004A  }
0x41: {  	s0 =	sadd.s32 @!p0 $0x100000, s1;
	[bflag:$0x2] =	sbarrier.arrive $0xFFFF  }
0x42: {  	[sflag:s0] =	ssyncadd.tile.s32 @!p0 $0x1;
	_ =	shalt  }
.Lfunc_end1:
_tile_overlayer_lowered:
.L_overlay_start_2:
0x43: {  	(tag) =	ssettag $0x2  }
0x44: {  	s0 =	rddreg [dreg:$0x0];
	s2 =	stileid.u32  }
0x45: {  	s1 =	rddreg [dreg:$0x1];
	p0 =	sne.s32 s2, $0x0  }
0x46: {  	s3 =	rddreg [dreg:$0x2];
	[bflag:$0x3] =	sbarrier.arrive $0xFFFF;
	s2 =	simm.s32 @!p0 $0x1C01  }
0x47: {  	[timem:s3], [sflag:s2] =	dma.local @!p0 [hbm:s0], s1  }
0x48: {  	s0 =	simm.s32 @!p0 $0x1  }
0x49: {  	_ =	swait.ge @!p0 [sflag:s0], s1  }
0x4a: {  	s1 =	ssub.s32 @!p0 $0x0, s1;
	[sflag:s0] =	ssyncset.done @!p0 $0x0  }
0x4b: {  	[sflag:s0] =	ssyncadd.s32 @!p0 s1  }
0x4c: {  	[bflag:$0x3] =	sbarrier.arrive $0xFFFF  }
0x4d: {  	_ =	shalt  }

</sc_bundles>
